<compile_context>
chip_gen: v7x
topology: tpu7x:2x2x1
jax: 0.10.2.dev20260603
libtpu: 0.0.44.dev20260713+nightly
codegen_flags: <defaults>
</compile_context>

<pallas_src>
import functools

import jax
import jax.numpy as jnp
from jax import lax
from jax.experimental import pallas as pl
from jax.experimental.pallas import tpu as pltpu
from jax.experimental.pallas import tpu_sc as plsc

NC = 2
NS = 16
K = 128


def _sc_aggregate(x, senders, receivers):
    n, d = x.shape
    e = senders.shape[0]
    ne = e // (NC * NS)
    ch = ne // K
    rem = ne - ch * K
    assert ch % 4 == 2 and rem > 0
    rpt = ((n // NS) + 7) // 8 * 8
    rlast = n - (NS - 1) * rpt

    mesh = plsc.VectorSubcoreMesh(core_axis_name="c", subcore_axis_name="s")

    @functools.partial(
        pl.kernel,
        mesh=mesh,
        out_type=jax.ShapeDtypeStruct((NC, n, d), jnp.float32),
        scratch_types=[
            [pltpu.VMEM((K,), jnp.int32) for _ in range(4)],
            [pltpu.VMEM((K,), jnp.int32) for _ in range(4)],
            [pltpu.VMEM((K, d), jnp.float32) for _ in range(2)],
            pltpu.VMEM((rem,), jnp.int32),
            pltpu.VMEM((rem,), jnp.int32),
            pltpu.VMEM((rem, d), jnp.float32),
            pltpu.VMEM_SHARED((n, d), jnp.float32),
            [pltpu.SemaphoreType.DMA for _ in range(4)],
            [pltpu.SemaphoreType.DMA for _ in range(4)],
            [pltpu.SemaphoreType.DMA for _ in range(2)],
            [pltpu.SemaphoreType.DMA for _ in range(2)],
            [pltpu.SemaphoreType.DMA for _ in range(2)],
        ],
    )
    def run(x_hbm, s_hbm, r_hbm, out_hbm, sidx, ridx, rows, sidr, ridr,
            rowr, acc, si, ri, sg, ss, sx):
        c = lax.axis_index("c")
        s = lax.axis_index("s")
        rbase = s * rpt
        ebase = (c * NS + s) * ne

        @pl.when(s < NS - 1)
        def _():
            pltpu.async_copy(x_hbm.at[pl.ds(rbase, rpt)],
                             acc.at[pl.ds(rbase, rpt)], sx[0])

        @pl.when(s == NS - 1)
        def _():
            pltpu.async_copy(x_hbm.at[pl.ds(rbase, rlast)],
                             acc.at[pl.ds(rbase, rlast)], sx[0])

        for t in range(2):
            pltpu.async_copy(s_hbm.at[pl.ds(ebase + t * K, K)],
                             sidx[t], si[t])
            pltpu.async_copy(r_hbm.at[pl.ds(ebase + t * K, K)],
                             ridx[t], ri[t])

        def chunk_step(i, t):
            t4, p4, x4 = t % 4, (t - 1) % 4, (t + 2) % 4
            t2, p2 = t % 2, (t - 1) % 2
            off = ebase + i * K
            pltpu.make_async_copy(s_hbm.at[pl.ds(off, K)], sidx[t4],
                                  si[t4]).wait()
            pltpu.make_async_copy(r_hbm.at[pl.ds(off, K)], ridx[t4],
                                  ri[t4]).wait()

            @pl.when(i >= 2)
            def _():
                pltpu.make_async_copy(rows[t2], acc.at[ridx[t4]],
                                      ss[t2]).wait()

            pltpu.async_copy(x_hbm.at[sidx[t4]], rows[t2], sg[t2])

            @pl.when(i + 2 < ch)
            def _():
                off2 = off + 2 * K
                pltpu.async_copy(s_hbm.at[pl.ds(off2, K)], sidx[x4], si[x4])
                pltpu.async_copy(r_hbm.at[pl.ds(off2, K)], ridx[x4], ri[x4])

            @pl.when(i > 0)
            def _():
                pltpu.make_async_copy(x_hbm.at[sidx[p4]], rows[p2],
                                      sg[p2]).wait()
                pltpu.async_copy(rows[p2], acc.at[ridx[p4]], ss[p2],
                                 add=True)

        for t in range(2):
            pltpu.make_async_copy(s_hbm.at[pl.ds(ebase + t * K, K)],
                                  sidx[t], si[t]).wait()
            pltpu.make_async_copy(r_hbm.at[pl.ds(ebase + t * K, K)],
                                  ridx[t], ri[t]).wait()
            pltpu.async_copy(x_hbm.at[sidx[t]], rows[t], sg[t])
            pltpu.async_copy(s_hbm.at[pl.ds(ebase + (t + 2) * K, K)],
                             sidx[t + 2], si[t + 2])
            pltpu.async_copy(r_hbm.at[pl.ds(ebase + (t + 2) * K, K)],
                             ridx[t + 2], ri[t + 2])

        @pl.when(s < NS - 1)
        def _():
            pltpu.make_async_copy(x_hbm.at[pl.ds(rbase, rpt)],
                                  acc.at[pl.ds(rbase, rpt)], sx[0]).wait()

        @pl.when(s == NS - 1)
        def _():
            pltpu.make_async_copy(x_hbm.at[pl.ds(rbase, rlast)],
                                  acc.at[pl.ds(rbase, rlast)], sx[0]).wait()

        plsc.subcore_barrier()
        pltpu.make_async_copy(x_hbm.at[sidx[0]], rows[0], sg[0]).wait()
        pltpu.async_copy(rows[0], acc.at[ridx[0]], ss[0], add=True)

        def body(j, carry):
            for u in range(4):
                chunk_step(4 * j + 2 + u, (2 + u) % 4)
            return carry

        lax.fori_loop(0, (ch - 2) // 4, body, 0)

        offr = ebase + ch * K
        pltpu.async_copy(s_hbm.at[pl.ds(offr, rem)], sidr, sx[0])
        pltpu.async_copy(r_hbm.at[pl.ds(offr, rem)], ridr, sx[1])
        l4, l2, q2 = (ch - 1) % 4, (ch - 1) % 2, ch % 2
        pltpu.make_async_copy(x_hbm.at[sidx[l4]], rows[l2], sg[l2]).wait()
        pltpu.async_copy(rows[l2], acc.at[ridx[l4]], ss[l2], add=True)
        pltpu.make_async_copy(s_hbm.at[pl.ds(offr, rem)], sidr, sx[0]).wait()
        pltpu.make_async_copy(r_hbm.at[pl.ds(offr, rem)], ridr, sx[1]).wait()
        pltpu.async_copy(x_hbm.at[sidr], rowr, sx[0])
        pltpu.make_async_copy(x_hbm.at[sidr], rowr, sx[0]).wait()
        pltpu.async_copy(rowr, acc.at[ridr], sx[1], add=True)
        pltpu.make_async_copy(rows[q2], acc.at[ridx[l4]], ss[q2]).wait()
        pltpu.make_async_copy(rows[l2], acc.at[ridx[l4]], ss[l2]).wait()
        pltpu.make_async_copy(rowr, acc.at[ridr], sx[1]).wait()
        plsc.subcore_barrier()

        @pl.when(s < NS - 1)
        def _():
            pltpu.sync_copy(acc.at[pl.ds(rbase, rpt)],
                            out_hbm.at[c, pl.ds(rbase, rpt)])

        @pl.when(s == NS - 1)
        def _():
            pltpu.sync_copy(acc.at[pl.ds(rbase, rlast)],
                            out_hbm.at[c, pl.ds(rbase, rlast)])

    return run(x, senders, receivers)


def _dense0(y_ref, nodes_ref, w0_ref, b0_ref, w1a_ref, w1b_ref, b1_ref,
            p0_ref, r0_ref):
    agg0 = y_ref[0] + y_ref[1] - nodes_ref[...]
    h0 = jnp.maximum(agg0 @ w0_ref[...] + b0_ref[...], 0.0)
    p0 = h0 @ w1a_ref[...]
    p0_ref[...] = p0
    r0_ref[...] = (agg0 @ w1b_ref[...] + b1_ref[...] - p0
                   ).astype(r0_ref.dtype)


def _dense1(z_ref, r0_ref, mask_ref, starts_ref, ends_ref, wg_ref, bg_ref,
            out_ref):
    g = out_ref.shape[0]
    nb = r0_ref.shape[0]
    h1 = jnp.maximum(z_ref[0] + z_ref[1]
                     + r0_ref[...].astype(jnp.float32), 0.0)
    col = lax.broadcasted_iota(jnp.int32, (g, nb), 1)
    sel = (col >= starts_ref[...]) & (col < ends_ref[...])
    onehot = jnp.where(sel, mask_ref[...], 0.0)
    hg = jnp.dot(onehot, h1, preferred_element_type=jnp.float32)

    out_ref[...] = hg @ wg_ref[...] + bg_ref[...]


def kernel(nodes, senders, receivers, n_node, is_root_mask,
           W0, b0, W1, b1, Wg, bg):
    n, d = nodes.shape
    g = n_node.shape[0]
    out_d = Wg.shape[1]

    w1a = W1[:d]
    w1b = W1[d:]
    maskf = is_root_mask.astype(jnp.float32).reshape(1, n)
    ends = jnp.cumsum(n_node).reshape(g, 1)
    starts = ends - n_node.reshape(g, 1)

    y = _sc_aggregate(nodes, senders, receivers)

    p0, r0 = pl.pallas_call(
        _dense0,
        out_shape=(jax.ShapeDtypeStruct((n, d), jnp.float32),
                   jax.ShapeDtypeStruct((n, d), jnp.bfloat16)),
    )(y, nodes, W0, b0.reshape(1, -1), w1a, w1b, b1.reshape(1, -1))

    z = _sc_aggregate(p0, senders, receivers)

    out = pl.pallas_call(
        _dense1,
        out_shape=jax.ShapeDtypeStruct((g, out_d), jnp.float32),
    )(z, r0, maskf, starts, ends, Wg, bg.reshape(1, -1))
    return out

# --- scband reference (transcript-rebuilt; emitter-appended) ---
"""Pipeline reference for scband-gcnroot-no-jraph-10376640987940 (READ-ONLY COPY).

The authoritative reference and input builder live on the scoring server;
editing this copy changes nothing except your own understanding.
"""

import jax, jax.numpy as jnp
import numpy as np

N = 10000
E = 320000
D = 128
G = 16
HID = [128, 128]
OUT = 64


def setup_inputs(seed: int = 0) -> dict:
    key = jax.random.key(seed)
    ks = jax.random.split(key, 8)
    nodes = jax.random.normal(ks[0], (N, D), dtype=jnp.float32)
    senders = jax.random.randint(ks[1], (E,), 0, N, dtype=jnp.int32)
    receivers = jax.random.randint(ks[2], (E,), 0, N, dtype=jnp.int32)
    n_node = jnp.full((G,), N // G, dtype=jnp.int32)
    is_root_mask = jax.random.bernoulli(ks[3], 0.5, (N,))
    W0 = jax.random.normal(ks[4], (D, HID[0]), dtype=jnp.float32) * (1.0 / np.sqrt(D))
    b0 = jnp.zeros((HID[0],), dtype=jnp.float32)
    W1 = jax.random.normal(ks[5], (HID[0] + D, HID[1]), dtype=jnp.float32) * (1.0 / np.sqrt(HID[0] + D))
    b1 = jnp.zeros((HID[1],), dtype=jnp.float32)
    Wg = jax.random.normal(ks[6], (HID[1], OUT), dtype=jnp.float32) * (1.0 / np.sqrt(HID[1]))
    bg = jnp.zeros((OUT,), dtype=jnp.float32)
    return {"nodes": nodes, "senders": senders, "receivers": receivers, "n_node": n_node,
            "is_root_mask": is_root_mask, "W0": W0, "b0": b0, "W1": W1, "b1": b1, "Wg": Wg, "bg": bg}


def reference(nodes, senders, receivers, n_node, is_root_mask, W0, b0, W1, b1, Wg, bg):
    n = nodes.shape[0]
    g = n_node.shape[0]
    self_idx = jnp.arange(n, dtype=senders.dtype)
    conv_senders = jnp.concatenate([senders, self_idx])
    conv_receivers = jnp.concatenate([receivers, self_idx])
    # Layer 0: aggregate then update (PostUpdate GCN with self edges)
    messages = nodes[conv_senders]
    agg = jax.ops.segment_sum(messages, conv_receivers, num_segments=n)
    h = jax.nn.relu(agg @ W0 + b0)
    # Layer 1: skip connection concat([h, h_0])
    feats = jnp.concatenate([h, nodes], axis=-1)
    messages = feats[conv_senders]
    agg = jax.ops.segment_sum(messages, conv_receivers, num_segments=n)
    h = jax.nn.relu(agg @ W1 + b1)
    # Root-node readout
    masked_nodes = h * is_root_mask[:, jnp.newaxis].astype(h.dtype)
    graph_indices = jnp.repeat(jnp.arange(g), n_node, total_repeat_length=n)
    hg = jax.ops.segment_sum(masked_nodes, graph_indices, num_segments=g)
    out = hg @ Wg + bg
    return out

if __name__ == "__main__":
    import jax
    _d = setup_inputs()
    print(jax.jit(kernel)(*tuple(_d.values())))

</pallas_src>

<mosaic_0001>
#map = affine_map<(d0, d1) -> (0, 0)>
#map1 = affine_map<(d0, d1) -> (0)>
#map2 = affine_map<(d0, d1) -> (0, 0, 0)>
module attributes {stable_mosaic.version = 14 : i64} {
  func.func @run(%arg0: i32, %arg1: i32, %arg2: memref<10000x128xf32, #tpu.memory_space<hbm>>, %arg3: memref<320000xi32, #tpu.memory_space<hbm>>, %arg4: memref<320000xi32, #tpu.memory_space<hbm>>, %arg5: memref<2x10000x128xf32, #tpu.memory_space<hbm>>, %arg6: memref<128xi32, #tpu.memory_space<vmem>>, %arg7: memref<128xi32, #tpu.memory_space<vmem>>, %arg8: memref<128xi32, #tpu.memory_space<vmem>>, %arg9: memref<128xi32, #tpu.memory_space<vmem>>, %arg10: memref<128xi32, #tpu.memory_space<vmem>>, %arg11: memref<128xi32, #tpu.memory_space<vmem>>, %arg12: memref<128xi32, #tpu.memory_space<vmem>>, %arg13: memref<128xi32, #tpu.memory_space<vmem>>, %arg14: memref<128x128xf32, #tpu.memory_space<vmem>>, %arg15: memref<128x128xf32, #tpu.memory_space<vmem>>, %arg16: memref<16xi32, #tpu.memory_space<vmem>>, %arg17: memref<16xi32, #tpu.memory_space<vmem>>, %arg18: memref<16x128xf32, #tpu.memory_space<vmem>>, %arg19: memref<10000x128xf32, #tpu.memory_space<vmem_shared>>, %arg20: memref<!tpu.dma_semaphore, #tpu.memory_space<semaphore_mem>>, %arg21: memref<!tpu.dma_semaphore, #tpu.memory_space<semaphore_mem>>, %arg22: memref<!tpu.dma_semaphore, #tpu.memory_space<semaphore_mem>>, %arg23: memref<!tpu.dma_semaphore, #tpu.memory_space<semaphore_mem>>, %arg24: memref<!tpu.dma_semaphore, #tpu.memory_space<semaphore_mem>>, %arg25: memref<!tpu.dma_semaphore, #tpu.memory_space<semaphore_mem>>, %arg26: memref<!tpu.dma_semaphore, #tpu.memory_space<semaphore_mem>>, %arg27: memref<!tpu.dma_semaphore, #tpu.memory_space<semaphore_mem>>, %arg28: memref<!tpu.dma_semaphore, #tpu.memory_space<semaphore_mem>>, %arg29: memref<!tpu.dma_semaphore, #tpu.memory_space<semaphore_mem>>, %arg30: memref<!tpu.dma_semaphore, #tpu.memory_space<semaphore_mem>>, %arg31: memref<!tpu.dma_semaphore, #tpu.memory_space<semaphore_mem>>, %arg32: memref<!tpu.dma_semaphore, #tpu.memory_space<semaphore_mem>>, %arg33: memref<!tpu.dma_semaphore, #tpu.memory_space<semaphore_mem>>) attributes {dimension_semantics = [#tpu.dimension_semantics<core_parallel>, #tpu.dimension_semantics<subcore_parallel>], iteration_bounds = array<i64: 2, 16>, scalar_prefetch = 0 : i64, scratch_operands = 28 : i64, tpu.core_type = #tpu.core_type<sc_vector_subcore>, window_params = [{transform_indices = #map}, {transform_indices = #map1}, {transform_indices = #map1}, {transform_indices = #map2}]} {
    %mul3A = arith.constant 632 : i32
    %mul3A_0 = arith.muli %arg1, %mul3A : i32
    %mul3A_1 = arith.constant 16 : i32
    %mul3A_2 = arith.muli %arg0, %mul3A_1 : i32
    %add3A = arith.addi %mul3A_2, %arg1 : i32
    %mul3A_3 = arith.constant 10000 : i32
    %mul3A_4 = arith.muli %add3A, %mul3A_3 : i32
    %lt3A = arith.constant 15 : i32
    %lt3A_5 = arith.cmpi slt, %arg1, %lt3A : i32
    %convert_element_type3A = arith.extui %lt3A_5 : i1 to i32
    %cond3A = arith.constant 0 : i32
    %cond3A_6 = arith.cmpi ne, %convert_element_type3A, %cond3A : i32
    scf.if %cond3A_6 {
      %dma_start3A_129 = arith.constant 0 : i32
      %dma_start3A_130 = tpu.memref_slice %arg19[%mul3A_0, %dma_start3A_129] : memref<10000x128xf32, #tpu.memory_space<vmem_shared>> -> memref<632x128xf32, #tpu.memory_space<vmem_shared>>
      %dma_start3A_131 = arith.constant 0 : i32
      %dma_start3A_132 = tpu.memref_slice %arg2[%mul3A_0, %dma_start3A_131] : memref<10000x128xf32, #tpu.memory_space<hbm>> -> memref<632x128xf32, #tpu.memory_space<hbm>>
      tpu.enqueue_dma source(%dma_start3A_132 : memref<632x128xf32, #tpu.memory_space<hbm>>) target(%dma_start3A_130 : memref<632x128xf32, #tpu.memory_space<vmem_shared>>) target_semaphore(%arg32 : memref<!tpu.dma_semaphore, #tpu.memory_space<semaphore_mem>>)
    } else {
    }
    %eq3A = arith.constant 15 : i32
    %eq3A_7 = arith.cmpi eq, %arg1, %eq3A : i32
    %convert_element_type3A_8 = arith.extui %eq3A_7 : i1 to i32
    %cond3A_9 = arith.constant 0 : i32
    %cond3A_10 = arith.cmpi ne, %convert_element_type3A_8, %cond3A_9 : i32
    scf.if %cond3A_10 {
      %dma_start3A_129 = arith.constant 0 : i32
      %dma_start3A_130 = tpu.memref_slice %arg19[%mul3A_0, %dma_start3A_129] : memref<10000x128xf32, #tpu.memory_space<vmem_shared>> -> memref<520x128xf32, #tpu.memory_space<vmem_shared>>
      %dma_start3A_131 = arith.constant 0 : i32
      %dma_start3A_132 = tpu.memref_slice %arg2[%mul3A_0, %dma_start3A_131] : memref<10000x128xf32, #tpu.memory_space<hbm>> -> memref<520x128xf32, #tpu.memory_space<hbm>>
      tpu.enqueue_dma source(%dma_start3A_132 : memref<520x128xf32, #tpu.memory_space<hbm>>) target(%dma_start3A_130 : memref<520x128xf32, #tpu.memory_space<vmem_shared>>) target_semaphore(%arg32 : memref<!tpu.dma_semaphore, #tpu.memory_space<semaphore_mem>>)
    } else {
    }
    %add3A_11 = arith.constant 0 : i32
    %add3A_12 = arith.addi %mul3A_4, %add3A_11 : i32
    %dma_start3A = tpu.memref_slice %arg3[%add3A_12] : memref<320000xi32, #tpu.memory_space<hbm>> -> memref<128xi32, #tpu.memory_space<hbm>>
    %dma_start3A_13 = tpu.memref_slice %arg3[%add3A_12] : memref<320000xi32, #tpu.memory_space<hbm>> -> memref<128xi32, #tpu.memory_space<hbm>>
    tpu.enqueue_dma source(%dma_start3A_13 : memref<128xi32, #tpu.memory_space<hbm>>) target(%arg6 : memref<128xi32, #tpu.memory_space<vmem>>) target_semaphore(%arg20 : memref<!tpu.dma_semaphore, #tpu.memory_space<semaphore_mem>>)
    %add3A_14 = arith.constant 0 : i32
    %add3A_15 = arith.addi %mul3A_4, %add3A_14 : i32
    %dma_start3A_16 = tpu.memref_slice %arg4[%add3A_15] : memref<320000xi32, #tpu.memory_space<hbm>> -> memref<128xi32, #tpu.memory_space<hbm>>
    %dma_start3A_17 = tpu.memref_slice %arg4[%add3A_15] : memref<320000xi32, #tpu.memory_space<hbm>> -> memref<128xi32, #tpu.memory_space<hbm>>
    tpu.enqueue_dma source(%dma_start3A_17 : memref<128xi32, #tpu.memory_space<hbm>>) target(%arg10 : memref<128xi32, #tpu.memory_space<vmem>>) target_semaphore(%arg24 : memref<!tpu.dma_semaphore, #tpu.memory_space<semaphore_mem>>)
    %add3A_18 = arith.constant 128 : i32
    %add3A_19 = arith.addi %mul3A_4, %add3A_18 : i32
    %dma_start3A_20 = tpu.memref_slice %arg3[%add3A_19] : memref<320000xi32, #tpu.memory_space<hbm>> -> memref<128xi32, #tpu.memory_space<hbm>>
    %dma_start3A_21 = tpu.memref_slice %arg3[%add3A_19] : memref<320000xi32, #tpu.memory_space<hbm>> -> memref<128xi32, #tpu.memory_space<hbm>>
    tpu.enqueue_dma source(%dma_start3A_21 : memref<128xi32, #tpu.memory_space<hbm>>) target(%arg7 : memref<128xi32, #tpu.memory_space<vmem>>) target_semaphore(%arg21 : memref<!tpu.dma_semaphore, #tpu.memory_space<semaphore_mem>>)
    %add3A_22 = arith.constant 128 : i32
    %add3A_23 = arith.addi %mul3A_4, %add3A_22 : i32
    %dma_start3A_24 = tpu.memref_slice %arg4[%add3A_23] : memref<320000xi32, #tpu.memory_space<hbm>> -> memref<128xi32, #tpu.memory_space<hbm>>
    %dma_start3A_25 = tpu.memref_slice %arg4[%add3A_23] : memref<320000xi32, #tpu.memory_space<hbm>> -> memref<128xi32, #tpu.memory_space<hbm>>
    tpu.enqueue_dma source(%dma_start3A_25 : memref<128xi32, #tpu.memory_space<hbm>>) target(%arg11 : memref<128xi32, #tpu.memory_space<vmem>>) target_semaphore(%arg25 : memref<!tpu.dma_semaphore, #tpu.memory_space<semaphore_mem>>)
    %add3A_26 = arith.constant 0 : i32
    %add3A_27 = arith.addi %mul3A_4, %add3A_26 : i32
    %dma_wait3A = tpu.memref_slice %arg3[%add3A_27] : memref<320000xi32, #tpu.memory_space<hbm>> -> memref<128xi32, #tpu.memory_space<hbm>>
    %dma_wait3A_28 = tpu.memref_slice %arg3[%add3A_27] : memref<320000xi32, #tpu.memory_space<hbm>> -> memref<128xi32, #tpu.memory_space<hbm>>
    tpu.wait_dma2 semaphore(%arg20 : memref<!tpu.dma_semaphore, #tpu.memory_space<semaphore_mem>>) src(%dma_wait3A_28 : memref<128xi32, #tpu.memory_space<hbm>>) dst(%arg6 : memref<128xi32, #tpu.memory_space<vmem>>)
    %add3A_29 = arith.constant 0 : i32
    %add3A_30 = arith.addi %mul3A_4, %add3A_29 : i32
    %dma_wait3A_31 = tpu.memref_slice %arg4[%add3A_30] : memref<320000xi32, #tpu.memory_space<hbm>> -> memref<128xi32, #tpu.memory_space<hbm>>
    %dma_wait3A_32 = tpu.memref_slice %arg4[%add3A_30] : memref<320000xi32, #tpu.memory_space<hbm>> -> memref<128xi32, #tpu.memory_space<hbm>>
    tpu.wait_dma2 semaphore(%arg24 : memref<!tpu.dma_semaphore, #tpu.memory_space<semaphore_mem>>) src(%dma_wait3A_32 : memref<128xi32, #tpu.memory_space<hbm>>) dst(%arg10 : memref<128xi32, #tpu.memory_space<vmem>>)
    %dma_start3A_33 = arith.constant 0 : i32
    %dma_start3A_34 = arith.constant 0 : i32
    %dma_start3A_35 = tpu.memref_slice %arg2[%dma_start3A_33, %dma_start3A_34] : memref<10000x128xf32, #tpu.memory_space<hbm>> -> memref<10000x128xf32, #tpu.memory_space<hbm>>
    tpu.enqueue_indirect_dma source(%dma_start3A_35 : memref<10000x128xf32, #tpu.memory_space<hbm>>) target(%arg14 : memref<128x128xf32, #tpu.memory_space<vmem>>) offsets(%arg6 : memref<128xi32, #tpu.memory_space<vmem>>) semaphore(%arg28 : memref<!tpu.dma_semaphore, #tpu.memory_space<semaphore_mem>>)
    %add3A_36 = arith.constant 256 : i32
    %add3A_37 = arith.addi %mul3A_4, %add3A_36 : i32
    %dma_start3A_38 = tpu.memref_slice %arg3[%add3A_37] : memref<320000xi32, #tpu.memory_space<hbm>> -> memref<128xi32, #tpu.memory_space<hbm>>
    %dma_start3A_39 = tpu.memref_slice %arg3[%add3A_37] : memref<320000xi32, #tpu.memory_space<hbm>> -> memref<128xi32, #tpu.memory_space<hbm>>
    tpu.enqueue_dma source(%dma_start3A_39 : memref<128xi32, #tpu.memory_space<hbm>>) target(%arg8 : memref<128xi32, #tpu.memory_space<vmem>>) target_semaphore(%arg22 : memref<!tpu.dma_semaphore, #tpu.memory_space<semaphore_mem>>)
    %add3A_40 = arith.constant 256 : i32
    %add3A_41 = arith.addi %mul3A_4, %add3A_40 : i32
    %dma_start3A_42 = tpu.memref_slice %arg4[%add3A_41] : memref<320000xi32, #tpu.memory_space<hbm>> -> memref<128xi32, #tpu.memory_space<hbm>>
    %dma_start3A_43 = tpu.memref_slice %arg4[%add3A_41] : memref<320000xi32, #tpu.memory_space<hbm>> -> memref<128xi32, #tpu.memory_space<hbm>>
    tpu.enqueue_dma source(%dma_start3A_43 : memref<128xi32, #tpu.memory_space<hbm>>) target(%arg12 : memref<128xi32, #tpu.memory_space<vmem>>) target_semaphore(%arg26 : memref<!tpu.dma_semaphore, #tpu.memory_space<semaphore_mem>>)
    %add3A_44 = arith.constant 128 : i32
    %add3A_45 = arith.addi %mul3A_4, %add3A_44 : i32
    %dma_wait3A_46 = tpu.memref_slice %arg3[%add3A_45] : memref<320000xi32, #tpu.memory_space<hbm>> -> memref<128xi32, #tpu.memory_space<hbm>>
    %dma_wait3A_47 = tpu.memref_slice %arg3[%add3A_45] : memref<320000xi32, #tpu.memory_space<hbm>> -> memref<128xi32, #tpu.memory_space<hbm>>
    tpu.wait_dma2 semaphore(%arg21 : memref<!tpu.dma_semaphore, #tpu.memory_space<semaphore_mem>>) src(%dma_wait3A_47 : memref<128xi32, #tpu.memory_space<hbm>>) dst(%arg7 : memref<128xi32, #tpu.memory_space<vmem>>)
    %add3A_48 = arith.constant 128 : i32
    %add3A_49 = arith.addi %mul3A_4, %add3A_48 : i32
    %dma_wait3A_50 = tpu.memref_slice %arg4[%add3A_49] : memref<320000xi32, #tpu.memory_space<hbm>> -> memref<128xi32, #tpu.memory_space<hbm>>
    %dma_wait3A_51 = tpu.memref_slice %arg4[%add3A_49] : memref<320000xi32, #tpu.memory_space<hbm>> -> memref<128xi32, #tpu.memory_space<hbm>>
    tpu.wait_dma2 semaphore(%arg25 : memref<!tpu.dma_semaphore, #tpu.memory_space<semaphore_mem>>) src(%dma_wait3A_51 : memref<128xi32, #tpu.memory_space<hbm>>) dst(%arg11 : memref<128xi32, #tpu.memory_space<vmem>>)
    %dma_start3A_52 = arith.constant 0 : i32
    %dma_start3A_53 = arith.constant 0 : i32
    %dma_start3A_54 = tpu.memref_slice %arg2[%dma_start3A_52, %dma_start3A_53] : memref<10000x128xf32, #tpu.memory_space<hbm>> -> memref<10000x128xf32, #tpu.memory_space<hbm>>
    tpu.enqueue_indirect_dma source(%dma_start3A_54 : memref<10000x128xf32, #tpu.memory_space<hbm>>) target(%arg15 : memref<128x128xf32, #tpu.memory_space<vmem>>) offsets(%arg7 : memref<128xi32, #tpu.memory_space<vmem>>) semaphore(%arg29 : memref<!tpu.dma_semaphore, #tpu.memory_space<semaphore_mem>>)
    %add3A_55 = arith.constant 384 : i32
    %add3A_56 = arith.addi %mul3A_4, %add3A_55 : i32
    %dma_start3A_57 = tpu.memref_slice %arg3[%add3A_56] : memref<320000xi32, #tpu.memory_space<hbm>> -> memref<128xi32, #tpu.memory_space<hbm>>
    %dma_start3A_58 = tpu.memref_slice %arg3[%add3A_56] : memref<320000xi32, #tpu.memory_space<hbm>> -> memref<128xi32, #tpu.memory_space<hbm>>
    tpu.enqueue_dma source(%dma_start3A_58 : memref<128xi32, #tpu.memory_space<hbm>>) target(%arg9 : memref<128xi32, #tpu.memory_space<vmem>>) target_semaphore(%arg23 : memref<!tpu.dma_semaphore, #tpu.memory_space<semaphore_mem>>)
    %add3A_59 = arith.constant 384 : i32
    %add3A_60 = arith.addi %mul3A_4, %add3A_59 : i32
    %dma_start3A_61 = tpu.memref_slice %arg4[%add3A_60] : memref<320000xi32, #tpu.memory_space<hbm>> -> memref<128xi32, #tpu.memory_space<hbm>>
    %dma_start3A_62 = tpu.memref_slice %arg4[%add3A_60] : memref<320000xi32, #tpu.memory_space<hbm>> -> memref<128xi32, #tpu.memory_space<hbm>>
    tpu.enqueue_dma source(%dma_start3A_62 : memref<128xi32, #tpu.memory_space<hbm>>) target(%arg13 : memref<128xi32, #tpu.memory_space<vmem>>) target_semaphore(%arg27 : memref<!tpu.dma_semaphore, #tpu.memory_space<semaphore_mem>>)
    %lt3A_63 = arith.constant 15 : i32
    %lt3A_64 = arith.cmpi slt, %arg1, %lt3A_63 : i32
    %convert_element_type3A_65 = arith.extui %lt3A_64 : i1 to i32
    %cond3A_66 = arith.constant 0 : i32
    %cond3A_67 = arith.cmpi ne, %convert_element_type3A_65, %cond3A_66 : i32
    scf.if %cond3A_67 {
      %dma_wait3A_129 = arith.constant 0 : i32
      %dma_wait3A_130 = tpu.memref_slice %arg19[%mul3A_0, %dma_wait3A_129] : memref<10000x128xf32, #tpu.memory_space<vmem_shared>> -> memref<632x128xf32, #tpu.memory_space<vmem_shared>>
      %dma_wait3A_131 = arith.constant 0 : i32
      %dma_wait3A_132 = tpu.memref_slice %arg2[%mul3A_0, %dma_wait3A_131] : memref<10000x128xf32, #tpu.memory_space<hbm>> -> memref<632x128xf32, #tpu.memory_space<hbm>>
      tpu.wait_dma2 semaphore(%arg32 : memref<!tpu.dma_semaphore, #tpu.memory_space<semaphore_mem>>) src(%dma_wait3A_132 : memref<632x128xf32, #tpu.memory_space<hbm>>) dst(%dma_wait3A_130 : memref<632x128xf32, #tpu.memory_space<vmem_shared>>)
    } else {
    }
    %eq3A_68 = arith.constant 15 : i32
    %eq3A_69 = arith.cmpi eq, %arg1, %eq3A_68 : i32
    %convert_element_type3A_70 = arith.extui %eq3A_69 : i1 to i32
    %cond3A_71 = arith.constant 0 : i32
    %cond3A_72 = arith.cmpi ne, %convert_element_type3A_70, %cond3A_71 : i32
    scf.if %cond3A_72 {
      %dma_wait3A_129 = arith.constant 0 : i32
      %dma_wait3A_130 = tpu.memref_slice %arg19[%mul3A_0, %dma_wait3A_129] : memref<10000x128xf32, #tpu.memory_space<vmem_shared>> -> memref<520x128xf32, #tpu.memory_space<vmem_shared>>
      %dma_wait3A_131 = arith.constant 0 : i32
      %dma_wait3A_132 = tpu.memref_slice %arg2[%mul3A_0, %dma_wait3A_131] : memref<10000x128xf32, #tpu.memory_space<hbm>> -> memref<520x128xf32, #tpu.memory_space<hbm>>
      tpu.wait_dma2 semaphore(%arg32 : memref<!tpu.dma_semaphore, #tpu.memory_space<semaphore_mem>>) src(%dma_wait3A_132 : memref<520x128xf32, #tpu.memory_space<hbm>>) dst(%dma_wait3A_130 : memref<520x128xf32, #tpu.memory_space<vmem_shared>>)
    } else {
    }
    %barrier3A = arith.constant 0 : index
    tpu.barrier barrier_id(%barrier3A)
    %dma_wait3A_73 = arith.constant 0 : i32
    %dma_wait3A_74 = arith.constant 0 : i32
    %dma_wait3A_75 = tpu.memref_slice %arg2[%dma_wait3A_73, %dma_wait3A_74] : memref<10000x128xf32, #tpu.memory_space<hbm>> -> memref<10000x128xf32, #tpu.memory_space<hbm>>
    tpu.wait_indirect_dma semaphore(%arg28 : memref<!tpu.dma_semaphore, #tpu.memory_space<semaphore_mem>>) src(%dma_wait3A_75 : memref<10000x128xf32, #tpu.memory_space<hbm>>) dst(%arg14 : memref<128x128xf32, #tpu.memory_space<vmem>>)
    %dma_start3A_76 = arith.constant 0 : i32
    %dma_start3A_77 = arith.constant 0 : i32
    %dma_start3A_78 = tpu.memref_slice %arg19[%dma_start3A_76, %dma_start3A_77] : memref<10000x128xf32, #tpu.memory_space<vmem_shared>> -> memref<10000x128xf32, #tpu.memory_space<vmem_shared>>
    tpu.enqueue_indirect_dma source(%arg14 : memref<128x128xf32, #tpu.memory_space<vmem>>) target(%dma_start3A_78 : memref<10000x128xf32, #tpu.memory_space<vmem_shared>>) offsets(%arg10 : memref<128xi32, #tpu.memory_space<vmem>>) semaphore(%arg30 : memref<!tpu.dma_semaphore, #tpu.memory_space<semaphore_mem>>) {add = true}
    %scan3A = arith.constant 0 : i32
    %scan3A_79 = arith.constant 0 : i32
    %scan3A_80 = arith.constant 19 : i32
    %scan3A_81 = arith.addi %scan3A_79, %scan3A_80 : i32
    %scan3A_82 = arith.constant 1 : i32
    scf.for %scan3A_129 = %scan3A_79 to %scan3A_81 step %scan3A_82  : i32 {
      %mul3A_130 = arith.constant 4 : i32
      %mul3A_131 = arith.muli %mul3A_130, %scan3A_129 : i32
      %add3A_132 = arith.constant 2 : i32
      %add3A_133 = arith.addi %mul3A_131, %add3A_132 : i32
      %add3A_134 = arith.constant 0 : i32
      %add3A_135 = arith.addi %add3A_133, %add3A_134 : i32
      %mul3A_136 = arith.constant 128 : i32
      %mul3A_137 = arith.muli %add3A_135, %mul3A_136 : i32
      %add3A_138 = arith.addi %mul3A_4, %mul3A_137 : i32
      %dma_wait3A_139 = tpu.memref_slice %arg3[%add3A_138] : memref<320000xi32, #tpu.memory_space<hbm>> -> memref<128xi32, #tpu.memory_space<hbm>>
      %dma_wait3A_140 = tpu.memref_slice %arg3[%add3A_138] : memref<320000xi32, #tpu.memory_space<hbm>> -> memref<128xi32, #tpu.memory_space<hbm>>
      tpu.wait_dma2 semaphore(%arg22 : memref<!tpu.dma_semaphore, #tpu.memory_space<semaphore_mem>>) src(%dma_wait3A_140 : memref<128xi32, #tpu.memory_space<hbm>>) dst(%arg8 : memref<128xi32, #tpu.memory_space<vmem>>)
      %dma_wait3A_141 = tpu.memref_slice %arg4[%add3A_138] : memref<320000xi32, #tpu.memory_space<hbm>> -> memref<128xi32, #tpu.memory_space<hbm>>
      %dma_wait3A_142 = tpu.memref_slice %arg4[%add3A_138] : memref<320000xi32, #tpu.memory_space<hbm>> -> memref<128xi32, #tpu.memory_space<hbm>>
      tpu.wait_dma2 semaphore(%arg26 : memref<!tpu.dma_semaphore, #tpu.memory_space<semaphore_mem>>) src(%dma_wait3A_142 : memref<128xi32, #tpu.memory_space<hbm>>) dst(%arg12 : memref<128xi32, #tpu.memory_space<vmem>>)
      %ge3A = arith.constant 2 : i32
      %ge3A_143 = arith.cmpi sge, %add3A_135, %ge3A : i32
      %convert_element_type3A_144 = arith.extui %ge3A_143 : i1 to i32
      %cond3A_145 = arith.constant 0 : i32
      %cond3A_146 = arith.cmpi ne, %convert_element_type3A_144, %cond3A_145 : i32
      scf.if %cond3A_146 {
        %dma_wait3A_260 = arith.constant 0 : i32
        %dma_wait3A_261 = arith.constant 0 : i32
        %dma_wait3A_262 = tpu.memref_slice %arg19[%dma_wait3A_260, %dma_wait3A_261] : memref<10000x128xf32, #tpu.memory_space<vmem_shared>> -> memref<10000x128xf32, #tpu.memory_space<vmem_shared>>
        tpu.wait_indirect_dma semaphore(%arg30 : memref<!tpu.dma_semaphore, #tpu.memory_space<semaphore_mem>>) src(%arg14 : memref<128x128xf32, #tpu.memory_space<vmem>>) dst(%dma_wait3A_262 : memref<10000x128xf32, #tpu.memory_space<vmem_shared>>)
      } else {
      }
      %dma_start3A_147 = arith.constant 0 : i32
      %dma_start3A_148 = arith.constant 0 : i32
      %dma_start3A_149 = tpu.memref_slice %arg2[%dma_start3A_147, %dma_start3A_148] : memref<10000x128xf32, #tpu.memory_space<hbm>> -> memref<10000x128xf32, #tpu.memory_space<hbm>>
      tpu.enqueue_indirect_dma source(%dma_start3A_149 : memref<10000x128xf32, #tpu.memory_space<hbm>>) target(%arg14 : memref<128x128xf32, #tpu.memory_space<vmem>>) offsets(%arg8 : memref<128xi32, #tpu.memory_space<vmem>>) semaphore(%arg28 : memref<!tpu.dma_semaphore, #tpu.memory_space<semaphore_mem>>)
      %add3A_150 = arith.constant 2 : i32
      %add3A_151 = arith.addi %add3A_135, %add3A_150 : i32
      %lt3A_152 = arith.constant 78 : i32
      %lt3A_153 = arith.cmpi slt, %add3A_151, %lt3A_152 : i32
      %convert_element_type3A_154 = arith.extui %lt3A_153 : i1 to i32
      %cond3A_155 = arith.constant 0 : i32
      %cond3A_156 = arith.cmpi ne, %convert_element_type3A_154, %cond3A_155 : i32
      scf.if %cond3A_156 {
        %add3A_260 = arith.constant 256 : i32
        %add3A_261 = arith.addi %add3A_138, %add3A_260 : i32
        %dma_start3A_262 = tpu.memref_slice %arg3[%add3A_261] : memref<320000xi32, #tpu.memory_space<hbm>> -> memref<128xi32, #tpu.memory_space<hbm>>
        %dma_start3A_263 = tpu.memref_slice %arg3[%add3A_261] : memref<320000xi32, #tpu.memory_space<hbm>> -> memref<128xi32, #tpu.memory_space<hbm>>
        tpu.enqueue_dma source(%dma_start3A_263 : memref<128xi32, #tpu.memory_space<hbm>>) target(%arg6 : memref<128xi32, #tpu.memory_space<vmem>>) target_semaphore(%arg20 : memref<!tpu.dma_semaphore, #tpu.memory_space<semaphore_mem>>)
        %dma_start3A_264 = tpu.memref_slice %arg4[%add3A_261] : memref<320000xi32, #tpu.memory_space<hbm>> -> memref<128xi32, #tpu.memory_space<hbm>>
        %dma_start3A_265 = tpu.memref_slice %arg4[%add3A_261] : memref<320000xi32, #tpu.memory_space<hbm>> -> memref<128xi32, #tpu.memory_space<hbm>>
        tpu.enqueue_dma source(%dma_start3A_265 : memref<128xi32, #tpu.memory_space<hbm>>) target(%arg10 : memref<128xi32, #tpu.memory_space<vmem>>) target_semaphore(%arg24 : memref<!tpu.dma_semaphore, #tpu.memory_space<semaphore_mem>>)
      } else {
      }
      %gt3A = arith.constant 0 : i32
      %gt3A_157 = arith.cmpi sgt, %add3A_135, %gt3A : i32
      %convert_element_type3A_158 = arith.extui %gt3A_157 : i1 to i32
      %cond3A_159 = arith.constant 0 : i32
      %cond3A_160 = arith.cmpi ne, %convert_element_type3A_158, %cond3A_159 : i32
      scf.if %cond3A_160 {
        %dma_wait3A_260 = arith.constant 0 : i32
        %dma_wait3A_261 = arith.constant 0 : i32
        %dma_wait3A_262 = tpu.memref_slice %arg2[%dma_wait3A_260, %dma_wait3A_261] : memref<10000x128xf32, #tpu.memory_space<hbm>> -> memref<10000x128xf32, #tpu.memory_space<hbm>>
        tpu.wait_indirect_dma semaphore(%arg29 : memref<!tpu.dma_semaphore, #tpu.memory_space<semaphore_mem>>) src(%dma_wait3A_262 : memref<10000x128xf32, #tpu.memory_space<hbm>>) dst(%arg15 : memref<128x128xf32, #tpu.memory_space<vmem>>)
        %dma_start3A_263 = arith.constant 0 : i32
        %dma_start3A_264 = arith.constant 0 : i32
        %dma_start3A_265 = tpu.memref_slice %arg19[%dma_start3A_263, %dma_start3A_264] : memref<10000x128xf32, #tpu.memory_space<vmem_shared>> -> memref<10000x128xf32, #tpu.memory_space<vmem_shared>>
        tpu.enqueue_indirect_dma source(%arg15 : memref<128x128xf32, #tpu.memory_space<vmem>>) target(%dma_start3A_265 : memref<10000x128xf32, #tpu.memory_space<vmem_shared>>) offsets(%arg11 : memref<128xi32, #tpu.memory_space<vmem>>) semaphore(%arg31 : memref<!tpu.dma_semaphore, #tpu.memory_space<semaphore_mem>>) {add = true}
      } else {
      }
      %mul3A_161 = arith.constant 4 : i32
      %mul3A_162 = arith.muli %mul3A_161, %scan3A_129 : i32
      %add3A_163 = arith.constant 2 : i32
      %add3A_164 = arith.addi %mul3A_162, %add3A_163 : i32
      %add3A_165 = arith.constant 1 : i32
      %add3A_166 = arith.addi %add3A_164, %add3A_165 : i32
      %mul3A_167 = arith.constant 128 : i32
      %mul3A_168 = arith.muli %add3A_166, %mul3A_167 : i32
      %add3A_169 = arith.addi %mul3A_4, %mul3A_168 : i32
      %dma_wait3A_170 = tpu.memref_slice %arg3[%add3A_169] : memref<320000xi32, #tpu.memory_space<hbm>> -> memref<128xi32, #tpu.memory_space<hbm>>
      %dma_wait3A_171 = tpu.memref_slice %arg3[%add3A_169] : memref<320000xi32, #tpu.memory_space<hbm>> -> memref<128xi32, #tpu.memory_space<hbm>>
      tpu.wait_dma2 semaphore(%arg23 : memref<!tpu.dma_semaphore, #tpu.memory_space<semaphore_mem>>) src(%dma_wait3A_171 : memref<128xi32, #tpu.memory_space<hbm>>) dst(%arg9 : memref<128xi32, #tpu.memory_space<vmem>>)
      %dma_wait3A_172 = tpu.memref_slice %arg4[%add3A_169] : memref<320000xi32, #tpu.memory_space<hbm>> -> memref<128xi32, #tpu.memory_space<hbm>>
      %dma_wait3A_173 = tpu.memref_slice %arg4[%add3A_169] : memref<320000xi32, #tpu.memory_space<hbm>> -> memref<128xi32, #tpu.memory_space<hbm>>
      tpu.wait_dma2 semaphore(%arg27 : memref<!tpu.dma_semaphore, #tpu.memory_space<semaphore_mem>>) src(%dma_wait3A_173 : memref<128xi32, #tpu.memory_space<hbm>>) dst(%arg13 : memref<128xi32, #tpu.memory_space<vmem>>)
      %ge3A_174 = arith.constant 2 : i32
      %ge3A_175 = arith.cmpi sge, %add3A_166, %ge3A_174 : i32
      %convert_element_type3A_176 = arith.extui %ge3A_175 : i1 to i32
      %cond3A_177 = arith.constant 0 : i32
      %cond3A_178 = arith.cmpi ne, %convert_element_type3A_176, %cond3A_177 : i32
      scf.if %cond3A_178 {
        %dma_wait3A_260 = arith.constant 0 : i32
        %dma_wait3A_261 = arith.constant 0 : i32
        %dma_wait3A_262 = tpu.memref_slice %arg19[%dma_wait3A_260, %dma_wait3A_261] : memref<10000x128xf32, #tpu.memory_space<vmem_shared>> -> memref<10000x128xf32, #tpu.memory_space<vmem_shared>>
        tpu.wait_indirect_dma semaphore(%arg31 : memref<!tpu.dma_semaphore, #tpu.memory_space<semaphore_mem>>) src(%arg15 : memref<128x128xf32, #tpu.memory_space<vmem>>) dst(%dma_wait3A_262 : memref<10000x128xf32, #tpu.memory_space<vmem_shared>>)
      } else {
      }
      %dma_start3A_179 = arith.constant 0 : i32
      %dma_start3A_180 = arith.constant 0 : i32
      %dma_start3A_181 = tpu.memref_slice %arg2[%dma_start3A_179, %dma_start3A_180] : memref<10000x128xf32, #tpu.memory_space<hbm>> -> memref<10000x128xf32, #tpu.memory_space<hbm>>
      tpu.enqueue_indirect_dma source(%dma_start3A_181 : memref<10000x128xf32, #tpu.memory_space<hbm>>) target(%arg15 : memref<128x128xf32, #tpu.memory_space<vmem>>) offsets(%arg9 : memref<128xi32, #tpu.memory_space<vmem>>) semaphore(%arg29 : memref<!tpu.dma_semaphore, #tpu.memory_space<semaphore_mem>>)
      %add3A_182 = arith.constant 2 : i32
      %add3A_183 = arith.addi %add3A_166, %add3A_182 : i32
      %lt3A_184 = arith.constant 78 : i32
      %lt3A_185 = arith.cmpi slt, %add3A_183, %lt3A_184 : i32
      %convert_element_type3A_186 = arith.extui %lt3A_185 : i1 to i32
      %cond3A_187 = arith.constant 0 : i32
      %cond3A_188 = arith.cmpi ne, %convert_element_type3A_186, %cond3A_187 : i32
      scf.if %cond3A_188 {
        %add3A_260 = arith.constant 256 : i32
        %add3A_261 = arith.addi %add3A_169, %add3A_260 : i32
        %dma_start3A_262 = tpu.memref_slice %arg3[%add3A_261] : memref<320000xi32, #tpu.memory_space<hbm>> -> memref<128xi32, #tpu.memory_space<hbm>>
        %dma_start3A_263 = tpu.memref_slice %arg3[%add3A_261] : memref<320000xi32, #tpu.memory_space<hbm>> -> memref<128xi32, #tpu.memory_space<hbm>>
        tpu.enqueue_dma source(%dma_start3A_263 : memref<128xi32, #tpu.memory_space<hbm>>) target(%arg7 : memref<128xi32, #tpu.memory_space<vmem>>) target_semaphore(%arg21 : memref<!tpu.dma_semaphore, #tpu.memory_space<semaphore_mem>>)
        %dma_start3A_264 = tpu.memref_slice %arg4[%add3A_261] : memref<320000xi32, #tpu.memory_space<hbm>> -> memref<128xi32, #tpu.memory_space<hbm>>
        %dma_start3A_265 = tpu.memref_slice %arg4[%add3A_261] : memref<320000xi32, #tpu.memory_space<hbm>> -> memref<128xi32, #tpu.memory_space<hbm>>
        tpu.enqueue_dma source(%dma_start3A_265 : memref<128xi32, #tpu.memory_space<hbm>>) target(%arg11 : memref<128xi32, #tpu.memory_space<vmem>>) target_semaphore(%arg25 : memref<!tpu.dma_semaphore, #tpu.memory_space<semaphore_mem>>)
      } else {
      }
      %gt3A_189 = arith.constant 0 : i32
      %gt3A_190 = arith.cmpi sgt, %add3A_166, %gt3A_189 : i32
      %convert_element_type3A_191 = arith.extui %gt3A_190 : i1 to i32
      %cond3A_192 = arith.constant 0 : i32
      %cond3A_193 = arith.cmpi ne, %convert_element_type3A_191, %cond3A_192 : i32
      scf.if %cond3A_193 {
        %dma_wait3A_260 = arith.constant 0 : i32
        %dma_wait3A_261 = arith.constant 0 : i32
        %dma_wait3A_262 = tpu.memref_slice %arg2[%dma_wait3A_260, %dma_wait3A_261] : memref<10000x128xf32, #tpu.memory_space<hbm>> -> memref<10000x128xf32, #tpu.memory_space<hbm>>
        tpu.wait_indirect_dma semaphore(%arg28 : memref<!tpu.dma_semaphore, #tpu.memory_space<semaphore_mem>>) src(%dma_wait3A_262 : memref<10000x128xf32, #tpu.memory_space<hbm>>) dst(%arg14 : memref<128x128xf32, #tpu.memory_space<vmem>>)
        %dma_start3A_263 = arith.constant 0 : i32
        %dma_start3A_264 = arith.constant 0 : i32
        %dma_start3A_265 = tpu.memref_slice %arg19[%dma_start3A_263, %dma_start3A_264] : memref<10000x128xf32, #tpu.memory_space<vmem_shared>> -> memref<10000x128xf32, #tpu.memory_space<vmem_shared>>
        tpu.enqueue_indirect_dma source(%arg14 : memref<128x128xf32, #tpu.memory_space<vmem>>) target(%dma_start3A_265 : memref<10000x128xf32, #tpu.memory_space<vmem_shared>>) offsets(%arg12 : memref<128xi32, #tpu.memory_space<vmem>>) semaphore(%arg30 : memref<!tpu.dma_semaphore, #tpu.memory_space<semaphore_mem>>) {add = true}
      } else {
      }
      %mul3A_194 = arith.constant 4 : i32
      %mul3A_195 = arith.muli %mul3A_194, %scan3A_129 : i32
      %add3A_196 = arith.constant 2 : i32
      %add3A_197 = arith.addi %mul3A_195, %add3A_196 : i32
      %add3A_198 = arith.constant 2 : i32
      %add3A_199 = arith.addi %add3A_197, %add3A_198 : i32
      %mul3A_200 = arith.constant 128 : i32
      %mul3A_201 = arith.muli %add3A_199, %mul3A_200 : i32
      %add3A_202 = arith.addi %mul3A_4, %mul3A_201 : i32
      %dma_wait3A_203 = tpu.memref_slice %arg3[%add3A_202] : memref<320000xi32, #tpu.memory_space<hbm>> -> memref<128xi32, #tpu.memory_space<hbm>>
      %dma_wait3A_204 = tpu.memref_slice %arg3[%add3A_202] : memref<320000xi32, #tpu.memory_space<hbm>> -> memref<128xi32, #tpu.memory_space<hbm>>
      tpu.wait_dma2 semaphore(%arg20 : memref<!tpu.dma_semaphore, #tpu.memory_space<semaphore_mem>>) src(%dma_wait3A_204 : memref<128xi32, #tpu.memory_space<hbm>>) dst(%arg6 : memref<128xi32, #tpu.memory_space<vmem>>)
      %dma_wait3A_205 = tpu.memref_slice %arg4[%add3A_202] : memref<320000xi32, #tpu.memory_space<hbm>> -> memref<128xi32, #tpu.memory_space<hbm>>
      %dma_wait3A_206 = tpu.memref_slice %arg4[%add3A_202] : memref<320000xi32, #tpu.memory_space<hbm>> -> memref<128xi32, #tpu.memory_space<hbm>>
      tpu.wait_dma2 semaphore(%arg24 : memref<!tpu.dma_semaphore, #tpu.memory_space<semaphore_mem>>) src(%dma_wait3A_206 : memref<128xi32, #tpu.memory_space<hbm>>) dst(%arg10 : memref<128xi32, #tpu.memory_space<vmem>>)
      %ge3A_207 = arith.constant 2 : i32
      %ge3A_208 = arith.cmpi sge, %add3A_199, %ge3A_207 : i32
      %convert_element_type3A_209 = arith.extui %ge3A_208 : i1 to i32
      %cond3A_210 = arith.constant 0 : i32
      %cond3A_211 = arith.cmpi ne, %convert_element_type3A_209, %cond3A_210 : i32
      scf.if %cond3A_211 {
        %dma_wait3A_260 = arith.constant 0 : i32
        %dma_wait3A_261 = arith.constant 0 : i32
        %dma_wait3A_262 = tpu.memref_slice %arg19[%dma_wait3A_260, %dma_wait3A_261] : memref<10000x128xf32, #tpu.memory_space<vmem_shared>> -> memref<10000x128xf32, #tpu.memory_space<vmem_shared>>
        tpu.wait_indirect_dma semaphore(%arg30 : memref<!tpu.dma_semaphore, #tpu.memory_space<semaphore_mem>>) src(%arg14 : memref<128x128xf32, #tpu.memory_space<vmem>>) dst(%dma_wait3A_262 : memref<10000x128xf32, #tpu.memory_space<vmem_shared>>)
      } else {
      }
      %dma_start3A_212 = arith.constant 0 : i32
      %dma_start3A_213 = arith.constant 0 : i32
      %dma_start3A_214 = tpu.memref_slice %arg2[%dma_start3A_212, %dma_start3A_213] : memref<10000x128xf32, #tpu.memory_space<hbm>> -> memref<10000x128xf32, #tpu.memory_space<hbm>>
      tpu.enqueue_indirect_dma source(%dma_start3A_214 : memref<10000x128xf32, #tpu.memory_space<hbm>>) target(%arg14 : memref<128x128xf32, #tpu.memory_space<vmem>>) offsets(%arg6 : memref<128xi32, #tpu.memory_space<vmem>>) semaphore(%arg28 : memref<!tpu.dma_semaphore, #tpu.memory_space<semaphore_mem>>)
      %add3A_215 = arith.constant 2 : i32
      %add3A_216 = arith.addi %add3A_199, %add3A_215 : i32
      %lt3A_217 = arith.constant 78 : i32
      %lt3A_218 = arith.cmpi slt, %add3A_216, %lt3A_217 : i32
      %convert_element_type3A_219 = arith.extui %lt3A_218 : i1 to i32
      %cond3A_220 = arith.constant 0 : i32
      %cond3A_221 = arith.cmpi ne, %convert_element_type3A_219, %cond3A_220 : i32
      scf.if %cond3A_221 {
        %add3A_260 = arith.constant 256 : i32
        %add3A_261 = arith.addi %add3A_202, %add3A_260 : i32
        %dma_start3A_262 = tpu.memref_slice %arg3[%add3A_261] : memref<320000xi32, #tpu.memory_space<hbm>> -> memref<128xi32, #tpu.memory_space<hbm>>
        %dma_start3A_263 = tpu.memref_slice %arg3[%add3A_261] : memref<320000xi32, #tpu.memory_space<hbm>> -> memref<128xi32, #tpu.memory_space<hbm>>
        tpu.enqueue_dma source(%dma_start3A_263 : memref<128xi32, #tpu.memory_space<hbm>>) target(%arg8 : memref<128xi32, #tpu.memory_space<vmem>>) target_semaphore(%arg22 : memref<!tpu.dma_semaphore, #tpu.memory_space<semaphore_mem>>)
        %dma_start3A_264 = tpu.memref_slice %arg4[%add3A_261] : memref<320000xi32, #tpu.memory_space<hbm>> -> memref<128xi32, #tpu.memory_space<hbm>>
        %dma_start3A_265 = tpu.memref_slice %arg4[%add3A_261] : memref<320000xi32, #tpu.memory_space<hbm>> -> memref<128xi32, #tpu.memory_space<hbm>>
        tpu.enqueue_dma source(%dma_start3A_265 : memref<128xi32, #tpu.memory_space<hbm>>) target(%arg12 : memref<128xi32, #tpu.memory_space<vmem>>) target_semaphore(%arg26 : memref<!tpu.dma_semaphore, #tpu.memory_space<semaphore_mem>>)
      } else {
      }
      %gt3A_222 = arith.constant 0 : i32
      %gt3A_223 = arith.cmpi sgt, %add3A_199, %gt3A_222 : i32
      %convert_element_type3A_224 = arith.extui %gt3A_223 : i1 to i32
      %cond3A_225 = arith.constant 0 : i32
      %cond3A_226 = arith.cmpi ne, %convert_element_type3A_224, %cond3A_225 : i32
      scf.if %cond3A_226 {
        %dma_wait3A_260 = arith.constant 0 : i32
        %dma_wait3A_261 = arith.constant 0 : i32
        %dma_wait3A_262 = tpu.memref_slice %arg2[%dma_wait3A_260, %dma_wait3A_261] : memref<10000x128xf32, #tpu.memory_space<hbm>> -> memref<10000x128xf32, #tpu.memory_space<hbm>>
        tpu.wait_indirect_dma semaphore(%arg29 : memref<!tpu.dma_semaphore, #tpu.memory_space<semaphore_mem>>) src(%dma_wait3A_262 : memref<10000x128xf32, #tpu.memory_space<hbm>>) dst(%arg15 : memref<128x128xf32, #tpu.memory_space<vmem>>)
        %dma_start3A_263 = arith.constant 0 : i32
        %dma_start3A_264 = arith.constant 0 : i32
        %dma_start3A_265 = tpu.memref_slice %arg19[%dma_start3A_263, %dma_start3A_264] : memref<10000x128xf32, #tpu.memory_space<vmem_shared>> -> memref<10000x128xf32, #tpu.memory_space<vmem_shared>>
        tpu.enqueue_indirect_dma source(%arg15 : memref<128x128xf32, #tpu.memory_space<vmem>>) target(%dma_start3A_265 : memref<10000x128xf32, #tpu.memory_space<vmem_shared>>) offsets(%arg13 : memref<128xi32, #tpu.memory_space<vmem>>) semaphore(%arg31 : memref<!tpu.dma_semaphore, #tpu.memory_space<semaphore_mem>>) {add = true}
      } else {
      }
      %mul3A_227 = arith.constant 4 : i32
      %mul3A_228 = arith.muli %mul3A_227, %scan3A_129 : i32
      %add3A_229 = arith.constant 2 : i32
      %add3A_230 = arith.addi %mul3A_228, %add3A_229 : i32
      %add3A_231 = arith.constant 3 : i32
      %add3A_232 = arith.addi %add3A_230, %add3A_231 : i32
      %mul3A_233 = arith.constant 128 : i32
      %mul3A_234 = arith.muli %add3A_232, %mul3A_233 : i32
      %add3A_235 = arith.addi %mul3A_4, %mul3A_234 : i32
      %dma_wait3A_236 = tpu.memref_slice %arg3[%add3A_235] : memref<320000xi32, #tpu.memory_space<hbm>> -> memref<128xi32, #tpu.memory_space<hbm>>
      %dma_wait3A_237 = tpu.memref_slice %arg3[%add3A_235] : memref<320000xi32, #tpu.memory_space<hbm>> -> memref<128xi32, #tpu.memory_space<hbm>>
      tpu.wait_dma2 semaphore(%arg21 : memref<!tpu.dma_semaphore, #tpu.memory_space<semaphore_mem>>) src(%dma_wait3A_237 : memref<128xi32, #tpu.memory_space<hbm>>) dst(%arg7 : memref<128xi32, #tpu.memory_space<vmem>>)
      %dma_wait3A_238 = tpu.memref_slice %arg4[%add3A_235] : memref<320000xi32, #tpu.memory_space<hbm>> -> memref<128xi32, #tpu.memory_space<hbm>>
      %dma_wait3A_239 = tpu.memref_slice %arg4[%add3A_235] : memref<320000xi32, #tpu.memory_space<hbm>> -> memref<128xi32, #tpu.memory_space<hbm>>
      tpu.wait_dma2 semaphore(%arg25 : memref<!tpu.dma_semaphore, #tpu.memory_space<semaphore_mem>>) src(%dma_wait3A_239 : memref<128xi32, #tpu.memory_space<hbm>>) dst(%arg11 : memref<128xi32, #tpu.memory_space<vmem>>)
      %ge3A_240 = arith.constant 2 : i32
      %ge3A_241 = arith.cmpi sge, %add3A_232, %ge3A_240 : i32
      %convert_element_type3A_242 = arith.extui %ge3A_241 : i1 to i32
      %cond3A_243 = arith.constant 0 : i32
      %cond3A_244 = arith.cmpi ne, %convert_element_type3A_242, %cond3A_243 : i32
      scf.if %cond3A_244 {
        %dma_wait3A_260 = arith.constant 0 : i32
        %dma_wait3A_261 = arith.constant 0 : i32
        %dma_wait3A_262 = tpu.memref_slice %arg19[%dma_wait3A_260, %dma_wait3A_261] : memref<10000x128xf32, #tpu.memory_space<vmem_shared>> -> memref<10000x128xf32, #tpu.memory_space<vmem_shared>>
        tpu.wait_indirect_dma semaphore(%arg31 : memref<!tpu.dma_semaphore, #tpu.memory_space<semaphore_mem>>) src(%arg15 : memref<128x128xf32, #tpu.memory_space<vmem>>) dst(%dma_wait3A_262 : memref<10000x128xf32, #tpu.memory_space<vmem_shared>>)
      } else {
      }
      %dma_start3A_245 = arith.constant 0 : i32
      %dma_start3A_246 = arith.constant 0 : i32
      %dma_start3A_247 = tpu.memref_slice %arg2[%dma_start3A_245, %dma_start3A_246] : memref<10000x128xf32, #tpu.memory_space<hbm>> -> memref<10000x128xf32, #tpu.memory_space<hbm>>
      tpu.enqueue_indirect_dma source(%dma_start3A_247 : memref<10000x128xf32, #tpu.memory_space<hbm>>) target(%arg15 : memref<128x128xf32, #tpu.memory_space<vmem>>) offsets(%arg7 : memref<128xi32, #tpu.memory_space<vmem>>) semaphore(%arg29 : memref<!tpu.dma_semaphore, #tpu.memory_space<semaphore_mem>>)
      %add3A_248 = arith.constant 2 : i32
      %add3A_249 = arith.addi %add3A_232, %add3A_248 : i32
      %lt3A_250 = arith.constant 78 : i32
      %lt3A_251 = arith.cmpi slt, %add3A_249, %lt3A_250 : i32
      %convert_element_type3A_252 = arith.extui %lt3A_251 : i1 to i32
      %cond3A_253 = arith.constant 0 : i32
      %cond3A_254 = arith.cmpi ne, %convert_element_type3A_252, %cond3A_253 : i32
      scf.if %cond3A_254 {
        %add3A_260 = arith.constant 256 : i32
        %add3A_261 = arith.addi %add3A_235, %add3A_260 : i32
        %dma_start3A_262 = tpu.memref_slice %arg3[%add3A_261] : memref<320000xi32, #tpu.memory_space<hbm>> -> memref<128xi32, #tpu.memory_space<hbm>>
        %dma_start3A_263 = tpu.memref_slice %arg3[%add3A_261] : memref<320000xi32, #tpu.memory_space<hbm>> -> memref<128xi32, #tpu.memory_space<hbm>>
        tpu.enqueue_dma source(%dma_start3A_263 : memref<128xi32, #tpu.memory_space<hbm>>) target(%arg9 : memref<128xi32, #tpu.memory_space<vmem>>) target_semaphore(%arg23 : memref<!tpu.dma_semaphore, #tpu.memory_space<semaphore_mem>>)
        %dma_start3A_264 = tpu.memref_slice %arg4[%add3A_261] : memref<320000xi32, #tpu.memory_space<hbm>> -> memref<128xi32, #tpu.memory_space<hbm>>
        %dma_start3A_265 = tpu.memref_slice %arg4[%add3A_261] : memref<320000xi32, #tpu.memory_space<hbm>> -> memref<128xi32, #tpu.memory_space<hbm>>
        tpu.enqueue_dma source(%dma_start3A_265 : memref<128xi32, #tpu.memory_space<hbm>>) target(%arg13 : memref<128xi32, #tpu.memory_space<vmem>>) target_semaphore(%arg27 : memref<!tpu.dma_semaphore, #tpu.memory_space<semaphore_mem>>)
      } else {
      }
      %gt3A_255 = arith.constant 0 : i32
      %gt3A_256 = arith.cmpi sgt, %add3A_232, %gt3A_255 : i32
      %convert_element_type3A_257 = arith.extui %gt3A_256 : i1 to i32
      %cond3A_258 = arith.constant 0 : i32
      %cond3A_259 = arith.cmpi ne, %convert_element_type3A_257, %cond3A_258 : i32
      scf.if %cond3A_259 {
        %dma_wait3A_260 = arith.constant 0 : i32
        %dma_wait3A_261 = arith.constant 0 : i32
        %dma_wait3A_262 = tpu.memref_slice %arg2[%dma_wait3A_260, %dma_wait3A_261] : memref<10000x128xf32, #tpu.memory_space<hbm>> -> memref<10000x128xf32, #tpu.memory_space<hbm>>
        tpu.wait_indirect_dma semaphore(%arg28 : memref<!tpu.dma_semaphore, #tpu.memory_space<semaphore_mem>>) src(%dma_wait3A_262 : memref<10000x128xf32, #tpu.memory_space<hbm>>) dst(%arg14 : memref<128x128xf32, #tpu.memory_space<vmem>>)
        %dma_start3A_263 = arith.constant 0 : i32
        %dma_start3A_264 = arith.constant 0 : i32
        %dma_start3A_265 = tpu.memref_slice %arg19[%dma_start3A_263, %dma_start3A_264] : memref<10000x128xf32, #tpu.memory_space<vmem_shared>> -> memref<10000x128xf32, #tpu.memory_space<vmem_shared>>
        tpu.enqueue_indirect_dma source(%arg14 : memref<128x128xf32, #tpu.memory_space<vmem>>) target(%dma_start3A_265 : memref<10000x128xf32, #tpu.memory_space<vmem_shared>>) offsets(%arg10 : memref<128xi32, #tpu.memory_space<vmem>>) semaphore(%arg30 : memref<!tpu.dma_semaphore, #tpu.memory_space<semaphore_mem>>) {add = true}
      } else {
      }
    }
    %scan3A_83 = arith.constant 19 : i32
    %add3A_84 = arith.constant 9984 : i32
    %add3A_85 = arith.addi %mul3A_4, %add3A_84 : i32
    %dma_start3A_86 = tpu.memref_slice %arg3[%add3A_85] : memref<320000xi32, #tpu.memory_space<hbm>> -> memref<16xi32, #tpu.memory_space<hbm>>
    %dma_start3A_87 = tpu.memref_slice %arg3[%add3A_85] : memref<320000xi32, #tpu.memory_space<hbm>> -> memref<16xi32, #tpu.memory_space<hbm>>
    tpu.enqueue_dma source(%dma_start3A_87 : memref<16xi32, #tpu.memory_space<hbm>>) target(%arg16 : memref<16xi32, #tpu.memory_space<vmem>>) target_semaphore(%arg32 : memref<!tpu.dma_semaphore, #tpu.memory_space<semaphore_mem>>)
    %dma_start3A_88 = tpu.memref_slice %arg4[%add3A_85] : memref<320000xi32, #tpu.memory_space<hbm>> -> memref<16xi32, #tpu.memory_space<hbm>>
    %dma_start3A_89 = tpu.memref_slice %arg4[%add3A_85] : memref<320000xi32, #tpu.memory_space<hbm>> -> memref<16xi32, #tpu.memory_space<hbm>>
    tpu.enqueue_dma source(%dma_start3A_89 : memref<16xi32, #tpu.memory_space<hbm>>) target(%arg17 : memref<16xi32, #tpu.memory_space<vmem>>) target_semaphore(%arg33 : memref<!tpu.dma_semaphore, #tpu.memory_space<semaphore_mem>>)
    %dma_wait3A_90 = arith.constant 0 : i32
    %dma_wait3A_91 = arith.constant 0 : i32
    %dma_wait3A_92 = tpu.memref_slice %arg2[%dma_wait3A_90, %dma_wait3A_91] : memref<10000x128xf32, #tpu.memory_space<hbm>> -> memref<10000x128xf32, #tpu.memory_space<hbm>>
    tpu.wait_indirect_dma semaphore(%arg29 : memref<!tpu.dma_semaphore, #tpu.memory_space<semaphore_mem>>) src(%dma_wait3A_92 : memref<10000x128xf32, #tpu.memory_space<hbm>>) dst(%arg15 : memref<128x128xf32, #tpu.memory_space<vmem>>)
    %dma_start3A_93 = arith.constant 0 : i32
    %dma_start3A_94 = arith.constant 0 : i32
    %dma_start3A_95 = tpu.memref_slice %arg19[%dma_start3A_93, %dma_start3A_94] : memref<10000x128xf32, #tpu.memory_space<vmem_shared>> -> memref<10000x128xf32, #tpu.memory_space<vmem_shared>>
    tpu.enqueue_indirect_dma source(%arg15 : memref<128x128xf32, #tpu.memory_space<vmem>>) target(%dma_start3A_95 : memref<10000x128xf32, #tpu.memory_space<vmem_shared>>) offsets(%arg11 : memref<128xi32, #tpu.memory_space<vmem>>) semaphore(%arg31 : memref<!tpu.dma_semaphore, #tpu.memory_space<semaphore_mem>>) {add = true}
    %dma_wait3A_96 = tpu.memref_slice %arg3[%add3A_85] : memref<320000xi32, #tpu.memory_space<hbm>> -> memref<16xi32, #tpu.memory_space<hbm>>
    %dma_wait3A_97 = tpu.memref_slice %arg3[%add3A_85] : memref<320000xi32, #tpu.memory_space<hbm>> -> memref<16xi32, #tpu.memory_space<hbm>>
    tpu.wait_dma2 semaphore(%arg32 : memref<!tpu.dma_semaphore, #tpu.memory_space<semaphore_mem>>) src(%dma_wait3A_97 : memref<16xi32, #tpu.memory_space<hbm>>) dst(%arg16 : memref<16xi32, #tpu.memory_space<vmem>>)
    %dma_wait3A_98 = tpu.memref_slice %arg4[%add3A_85] : memref<320000xi32, #tpu.memory_space<hbm>> -> memref<16xi32, #tpu.memory_space<hbm>>
    %dma_wait3A_99 = tpu.memref_slice %arg4[%add3A_85] : memref<320000xi32, #tpu.memory_space<hbm>> -> memref<16xi32, #tpu.memory_space<hbm>>
    tpu.wait_dma2 semaphore(%arg33 : memref<!tpu.dma_semaphore, #tpu.memory_space<semaphore_mem>>) src(%dma_wait3A_99 : memref<16xi32, #tpu.memory_space<hbm>>) dst(%arg17 : memref<16xi32, #tpu.memory_space<vmem>>)
    %dma_start3A_100 = arith.constant 0 : i32
    %dma_start3A_101 = arith.constant 0 : i32
    %dma_start3A_102 = tpu.memref_slice %arg2[%dma_start3A_100, %dma_start3A_101] : memref<10000x128xf32, #tpu.memory_space<hbm>> -> memref<10000x128xf32, #tpu.memory_space<hbm>>
    tpu.enqueue_indirect_dma source(%dma_start3A_102 : memref<10000x128xf32, #tpu.memory_space<hbm>>) target(%arg18 : memref<16x128xf32, #tpu.memory_space<vmem>>) offsets(%arg16 : memref<16xi32, #tpu.memory_space<vmem>>) semaphore(%arg32 : memref<!tpu.dma_semaphore, #tpu.memory_space<semaphore_mem>>)
    %dma_wait3A_103 = arith.constant 0 : i32
    %dma_wait3A_104 = arith.constant 0 : i32
    %dma_wait3A_105 = tpu.memref_slice %arg2[%dma_wait3A_103, %dma_wait3A_104] : memref<10000x128xf32, #tpu.memory_space<hbm>> -> memref<10000x128xf32, #tpu.memory_space<hbm>>
    tpu.wait_indirect_dma semaphore(%arg32 : memref<!tpu.dma_semaphore, #tpu.memory_space<semaphore_mem>>) src(%dma_wait3A_105 : memref<10000x128xf32, #tpu.memory_space<hbm>>) dst(%arg18 : memref<16x128xf32, #tpu.memory_space<vmem>>)
    %dma_start3A_106 = arith.constant 0 : i32
    %dma_start3A_107 = arith.constant 0 : i32
    %dma_start3A_108 = tpu.memref_slice %arg19[%dma_start3A_106, %dma_start3A_107] : memref<10000x128xf32, #tpu.memory_space<vmem_shared>> -> memref<10000x128xf32, #tpu.memory_space<vmem_shared>>
    tpu.enqueue_indirect_dma source(%arg18 : memref<16x128xf32, #tpu.memory_space<vmem>>) target(%dma_start3A_108 : memref<10000x128xf32, #tpu.memory_space<vmem_shared>>) offsets(%arg17 : memref<16xi32, #tpu.memory_space<vmem>>) semaphore(%arg33 : memref<!tpu.dma_semaphore, #tpu.memory_space<semaphore_mem>>) {add = true}
    %dma_wait3A_109 = arith.constant 0 : i32
    %dma_wait3A_110 = arith.constant 0 : i32
    %dma_wait3A_111 = tpu.memref_slice %arg19[%dma_wait3A_109, %dma_wait3A_110] : memref<10000x128xf32, #tpu.memory_space<vmem_shared>> -> memref<10000x128xf32, #tpu.memory_space<vmem_shared>>
    tpu.wait_indirect_dma semaphore(%arg30 : memref<!tpu.dma_semaphore, #tpu.memory_space<semaphore_mem>>) src(%arg14 : memref<128x128xf32, #tpu.memory_space<vmem>>) dst(%dma_wait3A_111 : memref<10000x128xf32, #tpu.memory_space<vmem_shared>>)
    %dma_wait3A_112 = arith.constant 0 : i32
    %dma_wait3A_113 = arith.constant 0 : i32
    %dma_wait3A_114 = tpu.memref_slice %arg19[%dma_wait3A_112, %dma_wait3A_113] : memref<10000x128xf32, #tpu.memory_space<vmem_shared>> -> memref<10000x128xf32, #tpu.memory_space<vmem_shared>>
    tpu.wait_indirect_dma semaphore(%arg31 : memref<!tpu.dma_semaphore, #tpu.memory_space<semaphore_mem>>) src(%arg15 : memref<128x128xf32, #tpu.memory_space<vmem>>) dst(%dma_wait3A_114 : memref<10000x128xf32, #tpu.memory_space<vmem_shared>>)
    %dma_wait3A_115 = arith.constant 0 : i32
    %dma_wait3A_116 = arith.constant 0 : i32
    %dma_wait3A_117 = tpu.memref_slice %arg19[%dma_wait3A_115, %dma_wait3A_116] : memref<10000x128xf32, #tpu.memory_space<vmem_shared>> -> memref<10000x128xf32, #tpu.memory_space<vmem_shared>>
    tpu.wait_indirect_dma semaphore(%arg33 : memref<!tpu.dma_semaphore, #tpu.memory_space<semaphore_mem>>) src(%arg18 : memref<16x128xf32, #tpu.memory_space<vmem>>) dst(%dma_wait3A_117 : memref<10000x128xf32, #tpu.memory_space<vmem_shared>>)
    %barrier3A_118 = arith.constant 0 : index
    tpu.barrier barrier_id(%barrier3A_118)
    %lt3A_119 = arith.constant 15 : i32
    %lt3A_120 = arith.cmpi slt, %arg1, %lt3A_119 : i32
    %convert_element_type3A_121 = arith.extui %lt3A_120 : i1 to i32
    %cond3A_122 = arith.constant 0 : i32
    %cond3A_123 = arith.cmpi ne, %convert_element_type3A_121, %cond3A_122 : i32
    scf.if %cond3A_123 {
      "tpu.region"() ({
        %run_scoped3A = tpu.sem_alloc : memref<!tpu.dma_semaphore, #tpu.memory_space<semaphore_mem>>
        %dma_start3A_129 = arith.constant 0 : i32
        %dma_start3A_130 = tpu.memref_slice %arg5[%arg0, %mul3A_0, %dma_start3A_129] : memref<2x10000x128xf32, #tpu.memory_space<hbm>> -> memref<1x632x128xf32, #tpu.memory_space<hbm>>
        %dma_start3A_131 = tpu.memref_squeeze %dma_start3A_130 : memref<1x632x128xf32, #tpu.memory_space<hbm>> -> memref<632x128xf32, #tpu.memory_space<hbm>>
        %dma_start3A_132 = arith.constant 0 : i32
        %dma_start3A_133 = tpu.memref_slice %arg19[%mul3A_0, %dma_start3A_132] : memref<10000x128xf32, #tpu.memory_space<vmem_shared>> -> memref<632x128xf32, #tpu.memory_space<vmem_shared>>
        tpu.enqueue_dma source(%dma_start3A_133 : memref<632x128xf32, #tpu.memory_space<vmem_shared>>) target(%dma_start3A_131 : memref<632x128xf32, #tpu.memory_space<hbm>>) target_semaphore(%run_scoped3A : memref<!tpu.dma_semaphore, #tpu.memory_space<semaphore_mem>>)
        %dma_wait3A_134 = arith.constant 0 : i32
        %dma_wait3A_135 = tpu.memref_slice %arg5[%arg0, %mul3A_0, %dma_wait3A_134] : memref<2x10000x128xf32, #tpu.memory_space<hbm>> -> memref<1x632x128xf32, #tpu.memory_space<hbm>>
        %dma_wait3A_136 = tpu.memref_squeeze %dma_wait3A_135 : memref<1x632x128xf32, #tpu.memory_space<hbm>> -> memref<632x128xf32, #tpu.memory_space<hbm>>
        %dma_wait3A_137 = arith.constant 0 : i32
        %dma_wait3A_138 = tpu.memref_slice %arg19[%mul3A_0, %dma_wait3A_137] : memref<10000x128xf32, #tpu.memory_space<vmem_shared>> -> memref<632x128xf32, #tpu.memory_space<vmem_shared>>
        tpu.wait_dma2 semaphore(%run_scoped3A : memref<!tpu.dma_semaphore, #tpu.memory_space<semaphore_mem>>) src(%dma_wait3A_138 : memref<632x128xf32, #tpu.memory_space<vmem_shared>>) dst(%dma_wait3A_136 : memref<632x128xf32, #tpu.memory_space<hbm>>)
        tpu.yield
      }) : () -> ()
    } else {
    }
    %eq3A_124 = arith.constant 15 : i32
    %eq3A_125 = arith.cmpi eq, %arg1, %eq3A_124 : i32
    %convert_element_type3A_126 = arith.extui %eq3A_125 : i1 to i32
    %cond3A_127 = arith.constant 0 : i32
    %cond3A_128 = arith.cmpi ne, %convert_element_type3A_126, %cond3A_127 : i32
    scf.if %cond3A_128 {
      "tpu.region"() ({
        %run_scoped3A = tpu.sem_alloc : memref<!tpu.dma_semaphore, #tpu.memory_space<semaphore_mem>>
        %dma_start3A_129 = arith.constant 0 : i32
        %dma_start3A_130 = tpu.memref_slice %arg5[%arg0, %mul3A_0, %dma_start3A_129] : memref<2x10000x128xf32, #tpu.memory_space<hbm>> -> memref<1x520x128xf32, #tpu.memory_space<hbm>>
        %dma_start3A_131 = tpu.memref_squeeze %dma_start3A_130 : memref<1x520x128xf32, #tpu.memory_space<hbm>> -> memref<520x128xf32, #tpu.memory_space<hbm>>
        %dma_start3A_132 = arith.constant 0 : i32
        %dma_start3A_133 = tpu.memref_slice %arg19[%mul3A_0, %dma_start3A_132] : memref<10000x128xf32, #tpu.memory_space<vmem_shared>> -> memref<520x128xf32, #tpu.memory_space<vmem_shared>>
        tpu.enqueue_dma source(%dma_start3A_133 : memref<520x128xf32, #tpu.memory_space<vmem_shared>>) target(%dma_start3A_131 : memref<520x128xf32, #tpu.memory_space<hbm>>) target_semaphore(%run_scoped3A : memref<!tpu.dma_semaphore, #tpu.memory_space<semaphore_mem>>)
        %dma_wait3A_134 = arith.constant 0 : i32
        %dma_wait3A_135 = tpu.memref_slice %arg5[%arg0, %mul3A_0, %dma_wait3A_134] : memref<2x10000x128xf32, #tpu.memory_space<hbm>> -> memref<1x520x128xf32, #tpu.memory_space<hbm>>
        %dma_wait3A_136 = tpu.memref_squeeze %dma_wait3A_135 : memref<1x520x128xf32, #tpu.memory_space<hbm>> -> memref<520x128xf32, #tpu.memory_space<hbm>>
        %dma_wait3A_137 = arith.constant 0 : i32
        %dma_wait3A_138 = tpu.memref_slice %arg19[%mul3A_0, %dma_wait3A_137] : memref<10000x128xf32, #tpu.memory_space<vmem_shared>> -> memref<520x128xf32, #tpu.memory_space<vmem_shared>>
        tpu.wait_dma2 semaphore(%run_scoped3A : memref<!tpu.dma_semaphore, #tpu.memory_space<semaphore_mem>>) src(%dma_wait3A_138 : memref<520x128xf32, #tpu.memory_space<vmem_shared>>) dst(%dma_wait3A_136 : memref<520x128xf32, #tpu.memory_space<hbm>>)
        tpu.yield
      }) : () -> ()
    } else {
    }
    return
  }
}

#map = affine_map<(d0, d1) -> (0, 0)>
#map1 = affine_map<(d0, d1) -> (0)>
#map2 = affine_map<(d0, d1) -> (0, 0, 0)>
module attributes {stable_mosaic.version = 14 : i64} {
  func.func @run(%arg0: i32, %arg1: i32, %arg2: memref<10000x128xf32, #tpu.memory_space<hbm>>, %arg3: memref<320000xi32, #tpu.memory_space<hbm>>, %arg4: memref<320000xi32, #tpu.memory_space<hbm>>, %arg5: memref<2x10000x128xf32, #tpu.memory_space<hbm>>, %arg6: memref<128xi32, #tpu.memory_space<vmem>>, %arg7: memref<128xi32, #tpu.memory_space<vmem>>, %arg8: memref<128xi32, #tpu.memory_space<vmem>>, %arg9: memref<128xi32, #tpu.memory_space<vmem>>, %arg10: memref<128xi32, #tpu.memory_space<vmem>>, %arg11: memref<128xi32, #tpu.memory_space<vmem>>, %arg12: memref<128xi32, #tpu.memory_space<vmem>>, %arg13: memref<128xi32, #tpu.memory_space<vmem>>, %arg14: memref<128x128xf32, #tpu.memory_space<vmem>>, %arg15: memref<128x128xf32, #tpu.memory_space<vmem>>, %arg16: memref<16xi32, #tpu.memory_space<vmem>>, %arg17: memref<16xi32, #tpu.memory_space<vmem>>, %arg18: memref<16x128xf32, #tpu.memory_space<vmem>>, %arg19: memref<10000x128xf32, #tpu.memory_space<vmem_shared>>, %arg20: memref<!tpu.dma_semaphore, #tpu.memory_space<semaphore_mem>>, %arg21: memref<!tpu.dma_semaphore, #tpu.memory_space<semaphore_mem>>, %arg22: memref<!tpu.dma_semaphore, #tpu.memory_space<semaphore_mem>>, %arg23: memref<!tpu.dma_semaphore, #tpu.memory_space<semaphore_mem>>, %arg24: memref<!tpu.dma_semaphore, #tpu.memory_space<semaphore_mem>>, %arg25: memref<!tpu.dma_semaphore, #tpu.memory_space<semaphore_mem>>, %arg26: memref<!tpu.dma_semaphore, #tpu.memory_space<semaphore_mem>>, %arg27: memref<!tpu.dma_semaphore, #tpu.memory_space<semaphore_mem>>, %arg28: memref<!tpu.dma_semaphore, #tpu.memory_space<semaphore_mem>>, %arg29: memref<!tpu.dma_semaphore, #tpu.memory_space<semaphore_mem>>, %arg30: memref<!tpu.dma_semaphore, #tpu.memory_space<semaphore_mem>>, %arg31: memref<!tpu.dma_semaphore, #tpu.memory_space<semaphore_mem>>, %arg32: memref<!tpu.dma_semaphore, #tpu.memory_space<semaphore_mem>>, %arg33: memref<!tpu.dma_semaphore, #tpu.memory_space<semaphore_mem>>) attributes {dimension_semantics = [#tpu.dimension_semantics<core_parallel>, #tpu.dimension_semantics<subcore_parallel>], iteration_bounds = array<i64: 2, 16>, scalar_prefetch = 0 : i64, scratch_operands = 28 : i64, tpu.core_type = #tpu.core_type<sc_vector_subcore>, window_params = [{transform_indices = #map}, {transform_indices = #map1}, {transform_indices = #map1}, {transform_indices = #map2}]} {
    %mul3A = arith.constant 632 : i32
    %mul3A_0 = arith.muli %arg1, %mul3A : i32
    %mul3A_1 = arith.constant 16 : i32
    %mul3A_2 = arith.muli %arg0, %mul3A_1 : i32
    %add3A = arith.addi %mul3A_2, %arg1 : i32
    %mul3A_3 = arith.constant 10000 : i32
    %mul3A_4 = arith.muli %add3A, %mul3A_3 : i32
    %lt3A = arith.constant 15 : i32
    %lt3A_5 = arith.cmpi slt, %arg1, %lt3A : i32
    %convert_element_type3A = arith.extui %lt3A_5 : i1 to i32
    %cond3A = arith.constant 0 : i32
    %cond3A_6 = arith.cmpi ne, %convert_element_type3A, %cond3A : i32
    scf.if %cond3A_6 {
      %dma_start3A_129 = arith.constant 0 : i32
      %dma_start3A_130 = tpu.memref_slice %arg19[%mul3A_0, %dma_start3A_129] : memref<10000x128xf32, #tpu.memory_space<vmem_shared>> -> memref<632x128xf32, #tpu.memory_space<vmem_shared>>
      %dma_start3A_131 = arith.constant 0 : i32
      %dma_start3A_132 = tpu.memref_slice %arg2[%mul3A_0, %dma_start3A_131] : memref<10000x128xf32, #tpu.memory_space<hbm>> -> memref<632x128xf32, #tpu.memory_space<hbm>>
      tpu.enqueue_dma source(%dma_start3A_132 : memref<632x128xf32, #tpu.memory_space<hbm>>) target(%dma_start3A_130 : memref<632x128xf32, #tpu.memory_space<vmem_shared>>) target_semaphore(%arg32 : memref<!tpu.dma_semaphore, #tpu.memory_space<semaphore_mem>>)
    } else {
    }
    %eq3A = arith.constant 15 : i32
    %eq3A_7 = arith.cmpi eq, %arg1, %eq3A : i32
    %convert_element_type3A_8 = arith.extui %eq3A_7 : i1 to i32
    %cond3A_9 = arith.constant 0 : i32
    %cond3A_10 = arith.cmpi ne, %convert_element_type3A_8, %cond3A_9 : i32
    scf.if %cond3A_10 {
      %dma_start3A_129 = arith.constant 0 : i32
      %dma_start3A_130 = tpu.memref_slice %arg19[%mul3A_0, %dma_start3A_129] : memref<10000x128xf32, #tpu.memory_space<vmem_shared>> -> memref<520x128xf32, #tpu.memory_space<vmem_shared>>
      %dma_start3A_131 = arith.constant 0 : i32
      %dma_start3A_132 = tpu.memref_slice %arg2[%mul3A_0, %dma_start3A_131] : memref<10000x128xf32, #tpu.memory_space<hbm>> -> memref<520x128xf32, #tpu.memory_space<hbm>>
      tpu.enqueue_dma source(%dma_start3A_132 : memref<520x128xf32, #tpu.memory_space<hbm>>) target(%dma_start3A_130 : memref<520x128xf32, #tpu.memory_space<vmem_shared>>) target_semaphore(%arg32 : memref<!tpu.dma_semaphore, #tpu.memory_space<semaphore_mem>>)
    } else {
    }
    %add3A_11 = arith.constant 0 : i32
    %add3A_12 = arith.addi %mul3A_4, %add3A_11 : i32
    %dma_start3A = tpu.memref_slice %arg3[%add3A_12] : memref<320000xi32, #tpu.memory_space<hbm>> -> memref<128xi32, #tpu.memory_space<hbm>>
    %dma_start3A_13 = tpu.memref_slice %arg3[%add3A_12] : memref<320000xi32, #tpu.memory_space<hbm>> -> memref<128xi32, #tpu.memory_space<hbm>>
    tpu.enqueue_dma source(%dma_start3A_13 : memref<128xi32, #tpu.memory_space<hbm>>) target(%arg6 : memref<128xi32, #tpu.memory_space<vmem>>) target_semaphore(%arg20 : memref<!tpu.dma_semaphore, #tpu.memory_space<semaphore_mem>>)
    %add3A_14 = arith.constant 0 : i32
    %add3A_15 = arith.addi %mul3A_4, %add3A_14 : i32
    %dma_start3A_16 = tpu.memref_slice %arg4[%add3A_15] : memref<320000xi32, #tpu.memory_space<hbm>> -> memref<128xi32, #tpu.memory_space<hbm>>
    %dma_start3A_17 = tpu.memref_slice %arg4[%add3A_15] : memref<320000xi32, #tpu.memory_space<hbm>> -> memref<128xi32, #tpu.memory_space<hbm>>
    tpu.enqueue_dma source(%dma_start3A_17 : memref<128xi32, #tpu.memory_space<hbm>>) target(%arg10 : memref<128xi32, #tpu.memory_space<vmem>>) target_semaphore(%arg24 : memref<!tpu.dma_semaphore, #tpu.memory_space<semaphore_mem>>)
    %add3A_18 = arith.constant 128 : i32
    %add3A_19 = arith.addi %mul3A_4, %add3A_18 : i32
    %dma_start3A_20 = tpu.memref_slice %arg3[%add3A_19] : memref<320000xi32, #tpu.memory_space<hbm>> -> memref<128xi32, #tpu.memory_space<hbm>>
    %dma_start3A_21 = tpu.memref_slice %arg3[%add3A_19] : memref<320000xi32, #tpu.memory_space<hbm>> -> memref<128xi32, #tpu.memory_space<hbm>>
    tpu.enqueue_dma source(%dma_start3A_21 : memref<128xi32, #tpu.memory_space<hbm>>) target(%arg7 : memref<128xi32, #tpu.memory_space<vmem>>) target_semaphore(%arg21 : memref<!tpu.dma_semaphore, #tpu.memory_space<semaphore_mem>>)
    %add3A_22 = arith.constant 128 : i32
    %add3A_23 = arith.addi %mul3A_4, %add3A_22 : i32
    %dma_start3A_24 = tpu.memref_slice %arg4[%add3A_23] : memref<320000xi32, #tpu.memory_space<hbm>> -> memref<128xi32, #tpu.memory_space<hbm>>
    %dma_start3A_25 = tpu.memref_slice %arg4[%add3A_23] : memref<320000xi32, #tpu.memory_space<hbm>> -> memref<128xi32, #tpu.memory_space<hbm>>
    tpu.enqueue_dma source(%dma_start3A_25 : memref<128xi32, #tpu.memory_space<hbm>>) target(%arg11 : memref<128xi32, #tpu.memory_space<vmem>>) target_semaphore(%arg25 : memref<!tpu.dma_semaphore, #tpu.memory_space<semaphore_mem>>)
    %add3A_26 = arith.constant 0 : i32
    %add3A_27 = arith.addi %mul3A_4, %add3A_26 : i32
    %dma_wait3A = tpu.memref_slice %arg3[%add3A_27] : memref<320000xi32, #tpu.memory_space<hbm>> -> memref<128xi32, #tpu.memory_space<hbm>>
    %dma_wait3A_28 = tpu.memref_slice %arg3[%add3A_27] : memref<320000xi32, #tpu.memory_space<hbm>> -> memref<128xi32, #tpu.memory_space<hbm>>
    tpu.wait_dma2 semaphore(%arg20 : memref<!tpu.dma_semaphore, #tpu.memory_space<semaphore_mem>>) src(%dma_wait3A_28 : memref<128xi32, #tpu.memory_space<hbm>>) dst(%arg6 : memref<128xi32, #tpu.memory_space<vmem>>)
    %add3A_29 = arith.constant 0 : i32
    %add3A_30 = arith.addi %mul3A_4, %add3A_29 : i32
    %dma_wait3A_31 = tpu.memref_slice %arg4[%add3A_30] : memref<320000xi32, #tpu.memory_space<hbm>> -> memref<128xi32, #tpu.memory_space<hbm>>
    %dma_wait3A_32 = tpu.memref_slice %arg4[%add3A_30] : memref<320000xi32, #tpu.memory_space<hbm>> -> memref<128xi32, #tpu.memory_space<hbm>>
    tpu.wait_dma2 semaphore(%arg24 : memref<!tpu.dma_semaphore, #tpu.memory_space<semaphore_mem>>) src(%dma_wait3A_32 : memref<128xi32, #tpu.memory_space<hbm>>) dst(%arg10 : memref<128xi32, #tpu.memory_space<vmem>>)
    %dma_start3A_33 = arith.constant 0 : i32
    %dma_start3A_34 = arith.constant 0 : i32
    %dma_start3A_35 = tpu.memref_slice %arg2[%dma_start3A_33, %dma_start3A_34] : memref<10000x128xf32, #tpu.memory_space<hbm>> -> memref<10000x128xf32, #tpu.memory_space<hbm>>
    tpu.enqueue_indirect_dma source(%dma_start3A_35 : memref<10000x128xf32, #tpu.memory_space<hbm>>) target(%arg14 : memref<128x128xf32, #tpu.memory_space<vmem>>) offsets(%arg6 : memref<128xi32, #tpu.memory_space<vmem>>) semaphore(%arg28 : memref<!tpu.dma_semaphore, #tpu.memory_space<semaphore_mem>>)
    %add3A_36 = arith.constant 256 : i32
    %add3A_37 = arith.addi %mul3A_4, %add3A_36 : i32
    %dma_start3A_38 = tpu.memref_slice %arg3[%add3A_37] : memref<320000xi32, #tpu.memory_space<hbm>> -> memref<128xi32, #tpu.memory_space<hbm>>
    %dma_start3A_39 = tpu.memref_slice %arg3[%add3A_37] : memref<320000xi32, #tpu.memory_space<hbm>> -> memref<128xi32, #tpu.memory_space<hbm>>
    tpu.enqueue_dma source(%dma_start3A_39 : memref<128xi32, #tpu.memory_space<hbm>>) target(%arg8 : memref<128xi32, #tpu.memory_space<vmem>>) target_semaphore(%arg22 : memref<!tpu.dma_semaphore, #tpu.memory_space<semaphore_mem>>)
    %add3A_40 = arith.constant 256 : i32
    %add3A_41 = arith.addi %mul3A_4, %add3A_40 : i32
    %dma_start3A_42 = tpu.memref_slice %arg4[%add3A_41] : memref<320000xi32, #tpu.memory_space<hbm>> -> memref<128xi32, #tpu.memory_space<hbm>>
    %dma_start3A_43 = tpu.memref_slice %arg4[%add3A_41] : memref<320000xi32, #tpu.memory_space<hbm>> -> memref<128xi32, #tpu.memory_space<hbm>>
    tpu.enqueue_dma source(%dma_start3A_43 : memref<128xi32, #tpu.memory_space<hbm>>) target(%arg12 : memref<128xi32, #tpu.memory_space<vmem>>) target_semaphore(%arg26 : memref<!tpu.dma_semaphore, #tpu.memory_space<semaphore_mem>>)
    %add3A_44 = arith.constant 128 : i32
    %add3A_45 = arith.addi %mul3A_4, %add3A_44 : i32
    %dma_wait3A_46 = tpu.memref_slice %arg3[%add3A_45] : memref<320000xi32, #tpu.memory_space<hbm>> -> memref<128xi32, #tpu.memory_space<hbm>>
    %dma_wait3A_47 = tpu.memref_slice %arg3[%add3A_45] : memref<320000xi32, #tpu.memory_space<hbm>> -> memref<128xi32, #tpu.memory_space<hbm>>
    tpu.wait_dma2 semaphore(%arg21 : memref<!tpu.dma_semaphore, #tpu.memory_space<semaphore_mem>>) src(%dma_wait3A_47 : memref<128xi32, #tpu.memory_space<hbm>>) dst(%arg7 : memref<128xi32, #tpu.memory_space<vmem>>)
    %add3A_48 = arith.constant 128 : i32
    %add3A_49 = arith.addi %mul3A_4, %add3A_48 : i32
    %dma_wait3A_50 = tpu.memref_slice %arg4[%add3A_49] : memref<320000xi32, #tpu.memory_space<hbm>> -> memref<128xi32, #tpu.memory_space<hbm>>
    %dma_wait3A_51 = tpu.memref_slice %arg4[%add3A_49] : memref<320000xi32, #tpu.memory_space<hbm>> -> memref<128xi32, #tpu.memory_space<hbm>>
    tpu.wait_dma2 semaphore(%arg25 : memref<!tpu.dma_semaphore, #tpu.memory_space<semaphore_mem>>) src(%dma_wait3A_51 : memref<128xi32, #tpu.memory_space<hbm>>) dst(%arg11 : memref<128xi32, #tpu.memory_space<vmem>>)
    %dma_start3A_52 = arith.constant 0 : i32
    %dma_start3A_53 = arith.constant 0 : i32
    %dma_start3A_54 = tpu.memref_slice %arg2[%dma_start3A_52, %dma_start3A_53] : memref<10000x128xf32, #tpu.memory_space<hbm>> -> memref<10000x128xf32, #tpu.memory_space<hbm>>
    tpu.enqueue_indirect_dma source(%dma_start3A_54 : memref<10000x128xf32, #tpu.memory_space<hbm>>) target(%arg15 : memref<128x128xf32, #tpu.memory_space<vmem>>) offsets(%arg7 : memref<128xi32, #tpu.memory_space<vmem>>) semaphore(%arg29 : memref<!tpu.dma_semaphore, #tpu.memory_space<semaphore_mem>>)
    %add3A_55 = arith.constant 384 : i32
    %add3A_56 = arith.addi %mul3A_4, %add3A_55 : i32
    %dma_start3A_57 = tpu.memref_slice %arg3[%add3A_56] : memref<320000xi32, #tpu.memory_space<hbm>> -> memref<128xi32, #tpu.memory_space<hbm>>
    %dma_start3A_58 = tpu.memref_slice %arg3[%add3A_56] : memref<320000xi32, #tpu.memory_space<hbm>> -> memref<128xi32, #tpu.memory_space<hbm>>
    tpu.enqueue_dma source(%dma_start3A_58 : memref<128xi32, #tpu.memory_space<hbm>>) target(%arg9 : memref<128xi32, #tpu.memory_space<vmem>>) target_semaphore(%arg23 : memref<!tpu.dma_semaphore, #tpu.memory_space<semaphore_mem>>)
    %add3A_59 = arith.constant 384 : i32
    %add3A_60 = arith.addi %mul3A_4, %add3A_59 : i32
    %dma_start3A_61 = tpu.memref_slice %arg4[%add3A_60] : memref<320000xi32, #tpu.memory_space<hbm>> -> memref<128xi32, #tpu.memory_space<hbm>>
    %dma_start3A_62 = tpu.memref_slice %arg4[%add3A_60] : memref<320000xi32, #tpu.memory_space<hbm>> -> memref<128xi32, #tpu.memory_space<hbm>>
    tpu.enqueue_dma source(%dma_start3A_62 : memref<128xi32, #tpu.memory_space<hbm>>) target(%arg13 : memref<128xi32, #tpu.memory_space<vmem>>) target_semaphore(%arg27 : memref<!tpu.dma_semaphore, #tpu.memory_space<semaphore_mem>>)
    %lt3A_63 = arith.constant 15 : i32
    %lt3A_64 = arith.cmpi slt, %arg1, %lt3A_63 : i32
    %convert_element_type3A_65 = arith.extui %lt3A_64 : i1 to i32
    %cond3A_66 = arith.constant 0 : i32
    %cond3A_67 = arith.cmpi ne, %convert_element_type3A_65, %cond3A_66 : i32
    scf.if %cond3A_67 {
      %dma_wait3A_129 = arith.constant 0 : i32
      %dma_wait3A_130 = tpu.memref_slice %arg19[%mul3A_0, %dma_wait3A_129] : memref<10000x128xf32, #tpu.memory_space<vmem_shared>> -> memref<632x128xf32, #tpu.memory_space<vmem_shared>>
      %dma_wait3A_131 = arith.constant 0 : i32
      %dma_wait3A_132 = tpu.memref_slice %arg2[%mul3A_0, %dma_wait3A_131] : memref<10000x128xf32, #tpu.memory_space<hbm>> -> memref<632x128xf32, #tpu.memory_space<hbm>>
      tpu.wait_dma2 semaphore(%arg32 : memref<!tpu.dma_semaphore, #tpu.memory_space<semaphore_mem>>) src(%dma_wait3A_132 : memref<632x128xf32, #tpu.memory_space<hbm>>) dst(%dma_wait3A_130 : memref<632x128xf32, #tpu.memory_space<vmem_shared>>)
    } else {
    }
    %eq3A_68 = arith.constant 15 : i32
    %eq3A_69 = arith.cmpi eq, %arg1, %eq3A_68 : i32
    %convert_element_type3A_70 = arith.extui %eq3A_69 : i1 to i32
    %cond3A_71 = arith.constant 0 : i32
    %cond3A_72 = arith.cmpi ne, %convert_element_type3A_70, %cond3A_71 : i32
    scf.if %cond3A_72 {
      %dma_wait3A_129 = arith.constant 0 : i32
      %dma_wait3A_130 = tpu.memref_slice %arg19[%mul3A_0, %dma_wait3A_129] : memref<10000x128xf32, #tpu.memory_space<vmem_shared>> -> memref<520x128xf32, #tpu.memory_space<vmem_shared>>
      %dma_wait3A_131 = arith.constant 0 : i32
      %dma_wait3A_132 = tpu.memref_slice %arg2[%mul3A_0, %dma_wait3A_131] : memref<10000x128xf32, #tpu.memory_space<hbm>> -> memref<520x128xf32, #tpu.memory_space<hbm>>
      tpu.wait_dma2 semaphore(%arg32 : memref<!tpu.dma_semaphore, #tpu.memory_space<semaphore_mem>>) src(%dma_wait3A_132 : memref<520x128xf32, #tpu.memory_space<hbm>>) dst(%dma_wait3A_130 : memref<520x128xf32, #tpu.memory_space<vmem_shared>>)
    } else {
    }
    %barrier3A = arith.constant 0 : index
    tpu.barrier barrier_id(%barrier3A)
    %dma_wait3A_73 = arith.constant 0 : i32
    %dma_wait3A_74 = arith.constant 0 : i32
    %dma_wait3A_75 = tpu.memref_slice %arg2[%dma_wait3A_73, %dma_wait3A_74] : memref<10000x128xf32, #tpu.memory_space<hbm>> -> memref<10000x128xf32, #tpu.memory_space<hbm>>
    tpu.wait_indirect_dma semaphore(%arg28 : memref<!tpu.dma_semaphore, #tpu.memory_space<semaphore_mem>>) src(%dma_wait3A_75 : memref<10000x128xf32, #tpu.memory_space<hbm>>) dst(%arg14 : memref<128x128xf32, #tpu.memory_space<vmem>>)
    %dma_start3A_76 = arith.constant 0 : i32
    %dma_start3A_77 = arith.constant 0 : i32
    %dma_start3A_78 = tpu.memref_slice %arg19[%dma_start3A_76, %dma_start3A_77] : memref<10000x128xf32, #tpu.memory_space<vmem_shared>> -> memref<10000x128xf32, #tpu.memory_space<vmem_shared>>
    tpu.enqueue_indirect_dma source(%arg14 : memref<128x128xf32, #tpu.memory_space<vmem>>) target(%dma_start3A_78 : memref<10000x128xf32, #tpu.memory_space<vmem_shared>>) offsets(%arg10 : memref<128xi32, #tpu.memory_space<vmem>>) semaphore(%arg30 : memref<!tpu.dma_semaphore, #tpu.memory_space<semaphore_mem>>) {add = true}
    %scan3A = arith.constant 0 : i32
    %scan3A_79 = arith.constant 0 : i32
    %scan3A_80 = arith.constant 19 : i32
    %scan3A_81 = arith.addi %scan3A_79, %scan3A_80 : i32
    %scan3A_82 = arith.constant 1 : i32
    scf.for %scan3A_129 = %scan3A_79 to %scan3A_81 step %scan3A_82  : i32 {
      %mul3A_130 = arith.constant 4 : i32
      %mul3A_131 = arith.muli %mul3A_130, %scan3A_129 : i32
      %add3A_132 = arith.constant 2 : i32
      %add3A_133 = arith.addi %mul3A_131, %add3A_132 : i32
      %add3A_134 = arith.constant 0 : i32
      %add3A_135 = arith.addi %add3A_133, %add3A_134 : i32
      %mul3A_136 = arith.constant 128 : i32
      %mul3A_137 = arith.muli %add3A_135, %mul3A_136 : i32
      %add3A_138 = arith.addi %mul3A_4, %mul3A_137 : i32
      %dma_wait3A_139 = tpu.memref_slice %arg3[%add3A_138] : memref<320000xi32, #tpu.memory_space<hbm>> -> memref<128xi32, #tpu.memory_space<hbm>>
      %dma_wait3A_140 = tpu.memref_slice %arg3[%add3A_138] : memref<320000xi32, #tpu.memory_space<hbm>> -> memref<128xi32, #tpu.memory_space<hbm>>
      tpu.wait_dma2 semaphore(%arg22 : memref<!tpu.dma_semaphore, #tpu.memory_space<semaphore_mem>>) src(%dma_wait3A_140 : memref<128xi32, #tpu.memory_space<hbm>>) dst(%arg8 : memref<128xi32, #tpu.memory_space<vmem>>)
      %dma_wait3A_141 = tpu.memref_slice %arg4[%add3A_138] : memref<320000xi32, #tpu.memory_space<hbm>> -> memref<128xi32, #tpu.memory_space<hbm>>
      %dma_wait3A_142 = tpu.memref_slice %arg4[%add3A_138] : memref<320000xi32, #tpu.memory_space<hbm>> -> memref<128xi32, #tpu.memory_space<hbm>>
      tpu.wait_dma2 semaphore(%arg26 : memref<!tpu.dma_semaphore, #tpu.memory_space<semaphore_mem>>) src(%dma_wait3A_142 : memref<128xi32, #tpu.memory_space<hbm>>) dst(%arg12 : memref<128xi32, #tpu.memory_space<vmem>>)
      %ge3A = arith.constant 2 : i32
      %ge3A_143 = arith.cmpi sge, %add3A_135, %ge3A : i32
      %convert_element_type3A_144 = arith.extui %ge3A_143 : i1 to i32
      %cond3A_145 = arith.constant 0 : i32
      %cond3A_146 = arith.cmpi ne, %convert_element_type3A_144, %cond3A_145 : i32
      scf.if %cond3A_146 {
        %dma_wait3A_260 = arith.constant 0 : i32
        %dma_wait3A_261 = arith.constant 0 : i32
        %dma_wait3A_262 = tpu.memref_slice %arg19[%dma_wait3A_260, %dma_wait3A_261] : memref<10000x128xf32, #tpu.memory_space<vmem_shared>> -> memref<10000x128xf32, #tpu.memory_space<vmem_shared>>
        tpu.wait_indirect_dma semaphore(%arg30 : memref<!tpu.dma_semaphore, #tpu.memory_space<semaphore_mem>>) src(%arg14 : memref<128x128xf32, #tpu.memory_space<vmem>>) dst(%dma_wait3A_262 : memref<10000x128xf32, #tpu.memory_space<vmem_shared>>)
      } else {
      }
      %dma_start3A_147 = arith.constant 0 : i32
      %dma_start3A_148 = arith.constant 0 : i32
      %dma_start3A_149 = tpu.memref_slice %arg2[%dma_start3A_147, %dma_start3A_148] : memref<10000x128xf32, #tpu.memory_space<hbm>> -> memref<10000x128xf32, #tpu.memory_space<hbm>>
      tpu.enqueue_indirect_dma source(%dma_start3A_149 : memref<10000x128xf32, #tpu.memory_space<hbm>>) target(%arg14 : memref<128x128xf32, #tpu.memory_space<vmem>>) offsets(%arg8 : memref<128xi32, #tpu.memory_space<vmem>>) semaphore(%arg28 : memref<!tpu.dma_semaphore, #tpu.memory_space<semaphore_mem>>)
      %add3A_150 = arith.constant 2 : i32
      %add3A_151 = arith.addi %add3A_135, %add3A_150 : i32
      %lt3A_152 = arith.constant 78 : i32
      %lt3A_153 = arith.cmpi slt, %add3A_151, %lt3A_152 : i32
      %convert_element_type3A_154 = arith.extui %lt3A_153 : i1 to i32
      %cond3A_155 = arith.constant 0 : i32
      %cond3A_156 = arith.cmpi ne, %convert_element_type3A_154, %cond3A_155 : i32
      scf.if %cond3A_156 {
        %add3A_260 = arith.constant 256 : i32
        %add3A_261 = arith.addi %add3A_138, %add3A_260 : i32
        %dma_start3A_262 = tpu.memref_slice %arg3[%add3A_261] : memref<320000xi32, #tpu.memory_space<hbm>> -> memref<128xi32, #tpu.memory_space<hbm>>
        %dma_start3A_263 = tpu.memref_slice %arg3[%add3A_261] : memref<320000xi32, #tpu.memory_space<hbm>> -> memref<128xi32, #tpu.memory_space<hbm>>
        tpu.enqueue_dma source(%dma_start3A_263 : memref<128xi32, #tpu.memory_space<hbm>>) target(%arg6 : memref<128xi32, #tpu.memory_space<vmem>>) target_semaphore(%arg20 : memref<!tpu.dma_semaphore, #tpu.memory_space<semaphore_mem>>)
        %dma_start3A_264 = tpu.memref_slice %arg4[%add3A_261] : memref<320000xi32, #tpu.memory_space<hbm>> -> memref<128xi32, #tpu.memory_space<hbm>>
        %dma_start3A_265 = tpu.memref_slice %arg4[%add3A_261] : memref<320000xi32, #tpu.memory_space<hbm>> -> memref<128xi32, #tpu.memory_space<hbm>>
        tpu.enqueue_dma source(%dma_start3A_265 : memref<128xi32, #tpu.memory_space<hbm>>) target(%arg10 : memref<128xi32, #tpu.memory_space<vmem>>) target_semaphore(%arg24 : memref<!tpu.dma_semaphore, #tpu.memory_space<semaphore_mem>>)
      } else {
      }
      %gt3A = arith.constant 0 : i32
      %gt3A_157 = arith.cmpi sgt, %add3A_135, %gt3A : i32
      %convert_element_type3A_158 = arith.extui %gt3A_157 : i1 to i32
      %cond3A_159 = arith.constant 0 : i32
      %cond3A_160 = arith.cmpi ne, %convert_element_type3A_158, %cond3A_159 : i32
      scf.if %cond3A_160 {
        %dma_wait3A_260 = arith.constant 0 : i32
        %dma_wait3A_261 = arith.constant 0 : i32
        %dma_wait3A_262 = tpu.memref_slice %arg2[%dma_wait3A_260, %dma_wait3A_261] : memref<10000x128xf32, #tpu.memory_space<hbm>> -> memref<10000x128xf32, #tpu.memory_space<hbm>>
        tpu.wait_indirect_dma semaphore(%arg29 : memref<!tpu.dma_semaphore, #tpu.memory_space<semaphore_mem>>) src(%dma_wait3A_262 : memref<10000x128xf32, #tpu.memory_space<hbm>>) dst(%arg15 : memref<128x128xf32, #tpu.memory_space<vmem>>)
        %dma_start3A_263 = arith.constant 0 : i32
        %dma_start3A_264 = arith.constant 0 : i32
        %dma_start3A_265 = tpu.memref_slice %arg19[%dma_start3A_263, %dma_start3A_264] : memref<10000x128xf32, #tpu.memory_space<vmem_shared>> -> memref<10000x128xf32, #tpu.memory_space<vmem_shared>>
        tpu.enqueue_indirect_dma source(%arg15 : memref<128x128xf32, #tpu.memory_space<vmem>>) target(%dma_start3A_265 : memref<10000x128xf32, #tpu.memory_space<vmem_shared>>) offsets(%arg11 : memref<128xi32, #tpu.memory_space<vmem>>) semaphore(%arg31 : memref<!tpu.dma_semaphore, #tpu.memory_space<semaphore_mem>>) {add = true}
      } else {
      }
      %mul3A_161 = arith.constant 4 : i32
      %mul3A_162 = arith.muli %mul3A_161, %scan3A_129 : i32
      %add3A_163 = arith.constant 2 : i32
      %add3A_164 = arith.addi %mul3A_162, %add3A_163 : i32
      %add3A_165 = arith.constant 1 : i32
      %add3A_166 = arith.addi %add3A_164, %add3A_165 : i32
      %mul3A_167 = arith.constant 128 : i32
      %mul3A_168 = arith.muli %add3A_166, %mul3A_167 : i32
      %add3A_169 = arith.addi %mul3A_4, %mul3A_168 : i32
      %dma_wait3A_170 = tpu.memref_slice %arg3[%add3A_169] : memref<320000xi32, #tpu.memory_space<hbm>> -> memref<128xi32, #tpu.memory_space<hbm>>
      %dma_wait3A_171 = tpu.memref_slice %arg3[%add3A_169] : memref<320000xi32, #tpu.memory_space<hbm>> -> memref<128xi32, #tpu.memory_space<hbm>>
      tpu.wait_dma2 semaphore(%arg23 : memref<!tpu.dma_semaphore, #tpu.memory_space<semaphore_mem>>) src(%dma_wait3A_171 : memref<128xi32, #tpu.memory_space<hbm>>) dst(%arg9 : memref<128xi32, #tpu.memory_space<vmem>>)
      %dma_wait3A_172 = tpu.memref_slice %arg4[%add3A_169] : memref<320000xi32, #tpu.memory_space<hbm>> -> memref<128xi32, #tpu.memory_space<hbm>>
      %dma_wait3A_173 = tpu.memref_slice %arg4[%add3A_169] : memref<320000xi32, #tpu.memory_space<hbm>> -> memref<128xi32, #tpu.memory_space<hbm>>
      tpu.wait_dma2 semaphore(%arg27 : memref<!tpu.dma_semaphore, #tpu.memory_space<semaphore_mem>>) src(%dma_wait3A_173 : memref<128xi32, #tpu.memory_space<hbm>>) dst(%arg13 : memref<128xi32, #tpu.memory_space<vmem>>)
      %ge3A_174 = arith.constant 2 : i32
      %ge3A_175 = arith.cmpi sge, %add3A_166, %ge3A_174 : i32
      %convert_element_type3A_176 = arith.extui %ge3A_175 : i1 to i32
      %cond3A_177 = arith.constant 0 : i32
      %cond3A_178 = arith.cmpi ne, %convert_element_type3A_176, %cond3A_177 : i32
      scf.if %cond3A_178 {
        %dma_wait3A_260 = arith.constant 0 : i32
        %dma_wait3A_261 = arith.constant 0 : i32
        %dma_wait3A_262 = tpu.memref_slice %arg19[%dma_wait3A_260, %dma_wait3A_261] : memref<10000x128xf32, #tpu.memory_space<vmem_shared>> -> memref<10000x128xf32, #tpu.memory_space<vmem_shared>>
        tpu.wait_indirect_dma semaphore(%arg31 : memref<!tpu.dma_semaphore, #tpu.memory_space<semaphore_mem>>) src(%arg15 : memref<128x128xf32, #tpu.memory_space<vmem>>) dst(%dma_wait3A_262 : memref<10000x128xf32, #tpu.memory_space<vmem_shared>>)
      } else {
      }
      %dma_start3A_179 = arith.constant 0 : i32
      %dma_start3A_180 = arith.constant 0 : i32
      %dma_start3A_181 = tpu.memref_slice %arg2[%dma_start3A_179, %dma_start3A_180] : memref<10000x128xf32, #tpu.memory_space<hbm>> -> memref<10000x128xf32, #tpu.memory_space<hbm>>
      tpu.enqueue_indirect_dma source(%dma_start3A_181 : memref<10000x128xf32, #tpu.memory_space<hbm>>) target(%arg15 : memref<128x128xf32, #tpu.memory_space<vmem>>) offsets(%arg9 : memref<128xi32, #tpu.memory_space<vmem>>) semaphore(%arg29 : memref<!tpu.dma_semaphore, #tpu.memory_space<semaphore_mem>>)
      %add3A_182 = arith.constant 2 : i32
      %add3A_183 = arith.addi %add3A_166, %add3A_182 : i32
      %lt3A_184 = arith.constant 78 : i32
      %lt3A_185 = arith.cmpi slt, %add3A_183, %lt3A_184 : i32
      %convert_element_type3A_186 = arith.extui %lt3A_185 : i1 to i32
      %cond3A_187 = arith.constant 0 : i32
      %cond3A_188 = arith.cmpi ne, %convert_element_type3A_186, %cond3A_187 : i32
      scf.if %cond3A_188 {
        %add3A_260 = arith.constant 256 : i32
        %add3A_261 = arith.addi %add3A_169, %add3A_260 : i32
        %dma_start3A_262 = tpu.memref_slice %arg3[%add3A_261] : memref<320000xi32, #tpu.memory_space<hbm>> -> memref<128xi32, #tpu.memory_space<hbm>>
        %dma_start3A_263 = tpu.memref_slice %arg3[%add3A_261] : memref<320000xi32, #tpu.memory_space<hbm>> -> memref<128xi32, #tpu.memory_space<hbm>>
        tpu.enqueue_dma source(%dma_start3A_263 : memref<128xi32, #tpu.memory_space<hbm>>) target(%arg7 : memref<128xi32, #tpu.memory_space<vmem>>) target_semaphore(%arg21 : memref<!tpu.dma_semaphore, #tpu.memory_space<semaphore_mem>>)
        %dma_start3A_264 = tpu.memref_slice %arg4[%add3A_261] : memref<320000xi32, #tpu.memory_space<hbm>> -> memref<128xi32, #tpu.memory_space<hbm>>
        %dma_start3A_265 = tpu.memref_slice %arg4[%add3A_261] : memref<320000xi32, #tpu.memory_space<hbm>> -> memref<128xi32, #tpu.memory_space<hbm>>
        tpu.enqueue_dma source(%dma_start3A_265 : memref<128xi32, #tpu.memory_space<hbm>>) target(%arg11 : memref<128xi32, #tpu.memory_space<vmem>>) target_semaphore(%arg25 : memref<!tpu.dma_semaphore, #tpu.memory_space<semaphore_mem>>)
      } else {
      }
      %gt3A_189 = arith.constant 0 : i32
      %gt3A_190 = arith.cmpi sgt, %add3A_166, %gt3A_189 : i32
      %convert_element_type3A_191 = arith.extui %gt3A_190 : i1 to i32
      %cond3A_192 = arith.constant 0 : i32
      %cond3A_193 = arith.cmpi ne, %convert_element_type3A_191, %cond3A_192 : i32
      scf.if %cond3A_193 {
        %dma_wait3A_260 = arith.constant 0 : i32
        %dma_wait3A_261 = arith.constant 0 : i32
        %dma_wait3A_262 = tpu.memref_slice %arg2[%dma_wait3A_260, %dma_wait3A_261] : memref<10000x128xf32, #tpu.memory_space<hbm>> -> memref<10000x128xf32, #tpu.memory_space<hbm>>
        tpu.wait_indirect_dma semaphore(%arg28 : memref<!tpu.dma_semaphore, #tpu.memory_space<semaphore_mem>>) src(%dma_wait3A_262 : memref<10000x128xf32, #tpu.memory_space<hbm>>) dst(%arg14 : memref<128x128xf32, #tpu.memory_space<vmem>>)
        %dma_start3A_263 = arith.constant 0 : i32
        %dma_start3A_264 = arith.constant 0 : i32
        %dma_start3A_265 = tpu.memref_slice %arg19[%dma_start3A_263, %dma_start3A_264] : memref<10000x128xf32, #tpu.memory_space<vmem_shared>> -> memref<10000x128xf32, #tpu.memory_space<vmem_shared>>
        tpu.enqueue_indirect_dma source(%arg14 : memref<128x128xf32, #tpu.memory_space<vmem>>) target(%dma_start3A_265 : memref<10000x128xf32, #tpu.memory_space<vmem_shared>>) offsets(%arg12 : memref<128xi32, #tpu.memory_space<vmem>>) semaphore(%arg30 : memref<!tpu.dma_semaphore, #tpu.memory_space<semaphore_mem>>) {add = true}
      } else {
      }
      %mul3A_194 = arith.constant 4 : i32
      %mul3A_195 = arith.muli %mul3A_194, %scan3A_129 : i32
      %add3A_196 = arith.constant 2 : i32
      %add3A_197 = arith.addi %mul3A_195, %add3A_196 : i32
      %add3A_198 = arith.constant 2 : i32
      %add3A_199 = arith.addi %add3A_197, %add3A_198 : i32
      %mul3A_200 = arith.constant 128 : i32
      %mul3A_201 = arith.muli %add3A_199, %mul3A_200 : i32
      %add3A_202 = arith.addi %mul3A_4, %mul3A_201 : i32
      %dma_wait3A_203 = tpu.memref_slice %arg3[%add3A_202] : memref<320000xi32, #tpu.memory_space<hbm>> -> memref<128xi32, #tpu.memory_space<hbm>>
      %dma_wait3A_204 = tpu.memref_slice %arg3[%add3A_202] : memref<320000xi32, #tpu.memory_space<hbm>> -> memref<128xi32, #tpu.memory_space<hbm>>
      tpu.wait_dma2 semaphore(%arg20 : memref<!tpu.dma_semaphore, #tpu.memory_space<semaphore_mem>>) src(%dma_wait3A_204 : memref<128xi32, #tpu.memory_space<hbm>>) dst(%arg6 : memref<128xi32, #tpu.memory_space<vmem>>)
      %dma_wait3A_205 = tpu.memref_slice %arg4[%add3A_202] : memref<320000xi32, #tpu.memory_space<hbm>> -> memref<128xi32, #tpu.memory_space<hbm>>
      %dma_wait3A_206 = tpu.memref_slice %arg4[%add3A_202] : memref<320000xi32, #tpu.memory_space<hbm>> -> memref<128xi32, #tpu.memory_space<hbm>>
      tpu.wait_dma2 semaphore(%arg24 : memref<!tpu.dma_semaphore, #tpu.memory_space<semaphore_mem>>) src(%dma_wait3A_206 : memref<128xi32, #tpu.memory_space<hbm>>) dst(%arg10 : memref<128xi32, #tpu.memory_space<vmem>>)
      %ge3A_207 = arith.constant 2 : i32
      %ge3A_208 = arith.cmpi sge, %add3A_199, %ge3A_207 : i32
      %convert_element_type3A_209 = arith.extui %ge3A_208 : i1 to i32
      %cond3A_210 = arith.constant 0 : i32
      %cond3A_211 = arith.cmpi ne, %convert_element_type3A_209, %cond3A_210 : i32
      scf.if %cond3A_211 {
        %dma_wait3A_260 = arith.constant 0 : i32
        %dma_wait3A_261 = arith.constant 0 : i32
        %dma_wait3A_262 = tpu.memref_slice %arg19[%dma_wait3A_260, %dma_wait3A_261] : memref<10000x128xf32, #tpu.memory_space<vmem_shared>> -> memref<10000x128xf32, #tpu.memory_space<vmem_shared>>
        tpu.wait_indirect_dma semaphore(%arg30 : memref<!tpu.dma_semaphore, #tpu.memory_space<semaphore_mem>>) src(%arg14 : memref<128x128xf32, #tpu.memory_space<vmem>>) dst(%dma_wait3A_262 : memref<10000x128xf32, #tpu.memory_space<vmem_shared>>)
      } else {
      }
      %dma_start3A_212 = arith.constant 0 : i32
      %dma_start3A_213 = arith.constant 0 : i32
      %dma_start3A_214 = tpu.memref_slice %arg2[%dma_start3A_212, %dma_start3A_213] : memref<10000x128xf32, #tpu.memory_space<hbm>> -> memref<10000x128xf32, #tpu.memory_space<hbm>>
      tpu.enqueue_indirect_dma source(%dma_start3A_214 : memref<10000x128xf32, #tpu.memory_space<hbm>>) target(%arg14 : memref<128x128xf32, #tpu.memory_space<vmem>>) offsets(%arg6 : memref<128xi32, #tpu.memory_space<vmem>>) semaphore(%arg28 : memref<!tpu.dma_semaphore, #tpu.memory_space<semaphore_mem>>)
      %add3A_215 = arith.constant 2 : i32
      %add3A_216 = arith.addi %add3A_199, %add3A_215 : i32
      %lt3A_217 = arith.constant 78 : i32
      %lt3A_218 = arith.cmpi slt, %add3A_216, %lt3A_217 : i32
      %convert_element_type3A_219 = arith.extui %lt3A_218 : i1 to i32
      %cond3A_220 = arith.constant 0 : i32
      %cond3A_221 = arith.cmpi ne, %convert_element_type3A_219, %cond3A_220 : i32
      scf.if %cond3A_221 {
        %add3A_260 = arith.constant 256 : i32
        %add3A_261 = arith.addi %add3A_202, %add3A_260 : i32
        %dma_start3A_262 = tpu.memref_slice %arg3[%add3A_261] : memref<320000xi32, #tpu.memory_space<hbm>> -> memref<128xi32, #tpu.memory_space<hbm>>
        %dma_start3A_263 = tpu.memref_slice %arg3[%add3A_261] : memref<320000xi32, #tpu.memory_space<hbm>> -> memref<128xi32, #tpu.memory_space<hbm>>
        tpu.enqueue_dma source(%dma_start3A_263 : memref<128xi32, #tpu.memory_space<hbm>>) target(%arg8 : memref<128xi32, #tpu.memory_space<vmem>>) target_semaphore(%arg22 : memref<!tpu.dma_semaphore, #tpu.memory_space<semaphore_mem>>)
        %dma_start3A_264 = tpu.memref_slice %arg4[%add3A_261] : memref<320000xi32, #tpu.memory_space<hbm>> -> memref<128xi32, #tpu.memory_space<hbm>>
        %dma_start3A_265 = tpu.memref_slice %arg4[%add3A_261] : memref<320000xi32, #tpu.memory_space<hbm>> -> memref<128xi32, #tpu.memory_space<hbm>>
        tpu.enqueue_dma source(%dma_start3A_265 : memref<128xi32, #tpu.memory_space<hbm>>) target(%arg12 : memref<128xi32, #tpu.memory_space<vmem>>) target_semaphore(%arg26 : memref<!tpu.dma_semaphore, #tpu.memory_space<semaphore_mem>>)
      } else {
      }
      %gt3A_222 = arith.constant 0 : i32
      %gt3A_223 = arith.cmpi sgt, %add3A_199, %gt3A_222 : i32
      %convert_element_type3A_224 = arith.extui %gt3A_223 : i1 to i32
      %cond3A_225 = arith.constant 0 : i32
      %cond3A_226 = arith.cmpi ne, %convert_element_type3A_224, %cond3A_225 : i32
      scf.if %cond3A_226 {
        %dma_wait3A_260 = arith.constant 0 : i32
        %dma_wait3A_261 = arith.constant 0 : i32
        %dma_wait3A_262 = tpu.memref_slice %arg2[%dma_wait3A_260, %dma_wait3A_261] : memref<10000x128xf32, #tpu.memory_space<hbm>> -> memref<10000x128xf32, #tpu.memory_space<hbm>>
        tpu.wait_indirect_dma semaphore(%arg29 : memref<!tpu.dma_semaphore, #tpu.memory_space<semaphore_mem>>) src(%dma_wait3A_262 : memref<10000x128xf32, #tpu.memory_space<hbm>>) dst(%arg15 : memref<128x128xf32, #tpu.memory_space<vmem>>)
        %dma_start3A_263 = arith.constant 0 : i32
        %dma_start3A_264 = arith.constant 0 : i32
        %dma_start3A_265 = tpu.memref_slice %arg19[%dma_start3A_263, %dma_start3A_264] : memref<10000x128xf32, #tpu.memory_space<vmem_shared>> -> memref<10000x128xf32, #tpu.memory_space<vmem_shared>>
        tpu.enqueue_indirect_dma source(%arg15 : memref<128x128xf32, #tpu.memory_space<vmem>>) target(%dma_start3A_265 : memref<10000x128xf32, #tpu.memory_space<vmem_shared>>) offsets(%arg13 : memref<128xi32, #tpu.memory_space<vmem>>) semaphore(%arg31 : memref<!tpu.dma_semaphore, #tpu.memory_space<semaphore_mem>>) {add = true}
      } else {
      }
      %mul3A_227 = arith.constant 4 : i32
      %mul3A_228 = arith.muli %mul3A_227, %scan3A_129 : i32
      %add3A_229 = arith.constant 2 : i32
      %add3A_230 = arith.addi %mul3A_228, %add3A_229 : i32
      %add3A_231 = arith.constant 3 : i32
      %add3A_232 = arith.addi %add3A_230, %add3A_231 : i32
      %mul3A_233 = arith.constant 128 : i32
      %mul3A_234 = arith.muli %add3A_232, %mul3A_233 : i32
      %add3A_235 = arith.addi %mul3A_4, %mul3A_234 : i32
      %dma_wait3A_236 = tpu.memref_slice %arg3[%add3A_235] : memref<320000xi32, #tpu.memory_space<hbm>> -> memref<128xi32, #tpu.memory_space<hbm>>
      %dma_wait3A_237 = tpu.memref_slice %arg3[%add3A_235] : memref<320000xi32, #tpu.memory_space<hbm>> -> memref<128xi32, #tpu.memory_space<hbm>>
      tpu.wait_dma2 semaphore(%arg21 : memref<!tpu.dma_semaphore, #tpu.memory_space<semaphore_mem>>) src(%dma_wait3A_237 : memref<128xi32, #tpu.memory_space<hbm>>) dst(%arg7 : memref<128xi32, #tpu.memory_space<vmem>>)
      %dma_wait3A_238 = tpu.memref_slice %arg4[%add3A_235] : memref<320000xi32, #tpu.memory_space<hbm>> -> memref<128xi32, #tpu.memory_space<hbm>>
      %dma_wait3A_239 = tpu.memref_slice %arg4[%add3A_235] : memref<320000xi32, #tpu.memory_space<hbm>> -> memref<128xi32, #tpu.memory_space<hbm>>
      tpu.wait_dma2 semaphore(%arg25 : memref<!tpu.dma_semaphore, #tpu.memory_space<semaphore_mem>>) src(%dma_wait3A_239 : memref<128xi32, #tpu.memory_space<hbm>>) dst(%arg11 : memref<128xi32, #tpu.memory_space<vmem>>)
      %ge3A_240 = arith.constant 2 : i32
      %ge3A_241 = arith.cmpi sge, %add3A_232, %ge3A_240 : i32
      %convert_element_type3A_242 = arith.extui %ge3A_241 : i1 to i32
      %cond3A_243 = arith.constant 0 : i32
      %cond3A_244 = arith.cmpi ne, %convert_element_type3A_242, %cond3A_243 : i32
      scf.if %cond3A_244 {
        %dma_wait3A_260 = arith.constant 0 : i32
        %dma_wait3A_261 = arith.constant 0 : i32
        %dma_wait3A_262 = tpu.memref_slice %arg19[%dma_wait3A_260, %dma_wait3A_261] : memref<10000x128xf32, #tpu.memory_space<vmem_shared>> -> memref<10000x128xf32, #tpu.memory_space<vmem_shared>>
        tpu.wait_indirect_dma semaphore(%arg31 : memref<!tpu.dma_semaphore, #tpu.memory_space<semaphore_mem>>) src(%arg15 : memref<128x128xf32, #tpu.memory_space<vmem>>) dst(%dma_wait3A_262 : memref<10000x128xf32, #tpu.memory_space<vmem_shared>>)
      } else {
      }
      %dma_start3A_245 = arith.constant 0 : i32
      %dma_start3A_246 = arith.constant 0 : i32
      %dma_start3A_247 = tpu.memref_slice %arg2[%dma_start3A_245, %dma_start3A_246] : memref<10000x128xf32, #tpu.memory_space<hbm>> -> memref<10000x128xf32, #tpu.memory_space<hbm>>
      tpu.enqueue_indirect_dma source(%dma_start3A_247 : memref<10000x128xf32, #tpu.memory_space<hbm>>) target(%arg15 : memref<128x128xf32, #tpu.memory_space<vmem>>) offsets(%arg7 : memref<128xi32, #tpu.memory_space<vmem>>) semaphore(%arg29 : memref<!tpu.dma_semaphore, #tpu.memory_space<semaphore_mem>>)
      %add3A_248 = arith.constant 2 : i32
      %add3A_249 = arith.addi %add3A_232, %add3A_248 : i32
      %lt3A_250 = arith.constant 78 : i32
      %lt3A_251 = arith.cmpi slt, %add3A_249, %lt3A_250 : i32
      %convert_element_type3A_252 = arith.extui %lt3A_251 : i1 to i32
      %cond3A_253 = arith.constant 0 : i32
      %cond3A_254 = arith.cmpi ne, %convert_element_type3A_252, %cond3A_253 : i32
      scf.if %cond3A_254 {
        %add3A_260 = arith.constant 256 : i32
        %add3A_261 = arith.addi %add3A_235, %add3A_260 : i32
        %dma_start3A_262 = tpu.memref_slice %arg3[%add3A_261] : memref<320000xi32, #tpu.memory_space<hbm>> -> memref<128xi32, #tpu.memory_space<hbm>>
        %dma_start3A_263 = tpu.memref_slice %arg3[%add3A_261] : memref<320000xi32, #tpu.memory_space<hbm>> -> memref<128xi32, #tpu.memory_space<hbm>>
        tpu.enqueue_dma source(%dma_start3A_263 : memref<128xi32, #tpu.memory_space<hbm>>) target(%arg9 : memref<128xi32, #tpu.memory_space<vmem>>) target_semaphore(%arg23 : memref<!tpu.dma_semaphore, #tpu.memory_space<semaphore_mem>>)
        %dma_start3A_264 = tpu.memref_slice %arg4[%add3A_261] : memref<320000xi32, #tpu.memory_space<hbm>> -> memref<128xi32, #tpu.memory_space<hbm>>
        %dma_start3A_265 = tpu.memref_slice %arg4[%add3A_261] : memref<320000xi32, #tpu.memory_space<hbm>> -> memref<128xi32, #tpu.memory_space<hbm>>
        tpu.enqueue_dma source(%dma_start3A_265 : memref<128xi32, #tpu.memory_space<hbm>>) target(%arg13 : memref<128xi32, #tpu.memory_space<vmem>>) target_semaphore(%arg27 : memref<!tpu.dma_semaphore, #tpu.memory_space<semaphore_mem>>)
      } else {
      }
      %gt3A_255 = arith.constant 0 : i32
      %gt3A_256 = arith.cmpi sgt, %add3A_232, %gt3A_255 : i32
      %convert_element_type3A_257 = arith.extui %gt3A_256 : i1 to i32
      %cond3A_258 = arith.constant 0 : i32
      %cond3A_259 = arith.cmpi ne, %convert_element_type3A_257, %cond3A_258 : i32
      scf.if %cond3A_259 {
        %dma_wait3A_260 = arith.constant 0 : i32
        %dma_wait3A_261 = arith.constant 0 : i32
        %dma_wait3A_262 = tpu.memref_slice %arg2[%dma_wait3A_260, %dma_wait3A_261] : memref<10000x128xf32, #tpu.memory_space<hbm>> -> memref<10000x128xf32, #tpu.memory_space<hbm>>
        tpu.wait_indirect_dma semaphore(%arg28 : memref<!tpu.dma_semaphore, #tpu.memory_space<semaphore_mem>>) src(%dma_wait3A_262 : memref<10000x128xf32, #tpu.memory_space<hbm>>) dst(%arg14 : memref<128x128xf32, #tpu.memory_space<vmem>>)
        %dma_start3A_263 = arith.constant 0 : i32
        %dma_start3A_264 = arith.constant 0 : i32
        %dma_start3A_265 = tpu.memref_slice %arg19[%dma_start3A_263, %dma_start3A_264] : memref<10000x128xf32, #tpu.memory_space<vmem_shared>> -> memref<10000x128xf32, #tpu.memory_space<vmem_shared>>
        tpu.enqueue_indirect_dma source(%arg14 : memref<128x128xf32, #tpu.memory_space<vmem>>) target(%dma_start3A_265 : memref<10000x128xf32, #tpu.memory_space<vmem_shared>>) offsets(%arg10 : memref<128xi32, #tpu.memory_space<vmem>>) semaphore(%arg30 : memref<!tpu.dma_semaphore, #tpu.memory_space<semaphore_mem>>) {add = true}
      } else {
      }
    }
    %scan3A_83 = arith.constant 19 : i32
    %add3A_84 = arith.constant 9984 : i32
    %add3A_85 = arith.addi %mul3A_4, %add3A_84 : i32
    %dma_start3A_86 = tpu.memref_slice %arg3[%add3A_85] : memref<320000xi32, #tpu.memory_space<hbm>> -> memref<16xi32, #tpu.memory_space<hbm>>
    %dma_start3A_87 = tpu.memref_slice %arg3[%add3A_85] : memref<320000xi32, #tpu.memory_space<hbm>> -> memref<16xi32, #tpu.memory_space<hbm>>
    tpu.enqueue_dma source(%dma_start3A_87 : memref<16xi32, #tpu.memory_space<hbm>>) target(%arg16 : memref<16xi32, #tpu.memory_space<vmem>>) target_semaphore(%arg32 : memref<!tpu.dma_semaphore, #tpu.memory_space<semaphore_mem>>)
    %dma_start3A_88 = tpu.memref_slice %arg4[%add3A_85] : memref<320000xi32, #tpu.memory_space<hbm>> -> memref<16xi32, #tpu.memory_space<hbm>>
    %dma_start3A_89 = tpu.memref_slice %arg4[%add3A_85] : memref<320000xi32, #tpu.memory_space<hbm>> -> memref<16xi32, #tpu.memory_space<hbm>>
    tpu.enqueue_dma source(%dma_start3A_89 : memref<16xi32, #tpu.memory_space<hbm>>) target(%arg17 : memref<16xi32, #tpu.memory_space<vmem>>) target_semaphore(%arg33 : memref<!tpu.dma_semaphore, #tpu.memory_space<semaphore_mem>>)
    %dma_wait3A_90 = arith.constant 0 : i32
    %dma_wait3A_91 = arith.constant 0 : i32
    %dma_wait3A_92 = tpu.memref_slice %arg2[%dma_wait3A_90, %dma_wait3A_91] : memref<10000x128xf32, #tpu.memory_space<hbm>> -> memref<10000x128xf32, #tpu.memory_space<hbm>>
    tpu.wait_indirect_dma semaphore(%arg29 : memref<!tpu.dma_semaphore, #tpu.memory_space<semaphore_mem>>) src(%dma_wait3A_92 : memref<10000x128xf32, #tpu.memory_space<hbm>>) dst(%arg15 : memref<128x128xf32, #tpu.memory_space<vmem>>)
    %dma_start3A_93 = arith.constant 0 : i32
    %dma_start3A_94 = arith.constant 0 : i32
    %dma_start3A_95 = tpu.memref_slice %arg19[%dma_start3A_93, %dma_start3A_94] : memref<10000x128xf32, #tpu.memory_space<vmem_shared>> -> memref<10000x128xf32, #tpu.memory_space<vmem_shared>>
    tpu.enqueue_indirect_dma source(%arg15 : memref<128x128xf32, #tpu.memory_space<vmem>>) target(%dma_start3A_95 : memref<10000x128xf32, #tpu.memory_space<vmem_shared>>) offsets(%arg11 : memref<128xi32, #tpu.memory_space<vmem>>) semaphore(%arg31 : memref<!tpu.dma_semaphore, #tpu.memory_space<semaphore_mem>>) {add = true}
    %dma_wait3A_96 = tpu.memref_slice %arg3[%add3A_85] : memref<320000xi32, #tpu.memory_space<hbm>> -> memref<16xi32, #tpu.memory_space<hbm>>
    %dma_wait3A_97 = tpu.memref_slice %arg3[%add3A_85] : memref<320000xi32, #tpu.memory_space<hbm>> -> memref<16xi32, #tpu.memory_space<hbm>>
    tpu.wait_dma2 semaphore(%arg32 : memref<!tpu.dma_semaphore, #tpu.memory_space<semaphore_mem>>) src(%dma_wait3A_97 : memref<16xi32, #tpu.memory_space<hbm>>) dst(%arg16 : memref<16xi32, #tpu.memory_space<vmem>>)
    %dma_wait3A_98 = tpu.memref_slice %arg4[%add3A_85] : memref<320000xi32, #tpu.memory_space<hbm>> -> memref<16xi32, #tpu.memory_space<hbm>>
    %dma_wait3A_99 = tpu.memref_slice %arg4[%add3A_85] : memref<320000xi32, #tpu.memory_space<hbm>> -> memref<16xi32, #tpu.memory_space<hbm>>
    tpu.wait_dma2 semaphore(%arg33 : memref<!tpu.dma_semaphore, #tpu.memory_space<semaphore_mem>>) src(%dma_wait3A_99 : memref<16xi32, #tpu.memory_space<hbm>>) dst(%arg17 : memref<16xi32, #tpu.memory_space<vmem>>)
    %dma_start3A_100 = arith.constant 0 : i32
    %dma_start3A_101 = arith.constant 0 : i32
    %dma_start3A_102 = tpu.memref_slice %arg2[%dma_start3A_100, %dma_start3A_101] : memref<10000x128xf32, #tpu.memory_space<hbm>> -> memref<10000x128xf32, #tpu.memory_space<hbm>>
    tpu.enqueue_indirect_dma source(%dma_start3A_102 : memref<10000x128xf32, #tpu.memory_space<hbm>>) target(%arg18 : memref<16x128xf32, #tpu.memory_space<vmem>>) offsets(%arg16 : memref<16xi32, #tpu.memory_space<vmem>>) semaphore(%arg32 : memref<!tpu.dma_semaphore, #tpu.memory_space<semaphore_mem>>)
    %dma_wait3A_103 = arith.constant 0 : i32
    %dma_wait3A_104 = arith.constant 0 : i32
    %dma_wait3A_105 = tpu.memref_slice %arg2[%dma_wait3A_103, %dma_wait3A_104] : memref<10000x128xf32, #tpu.memory_space<hbm>> -> memref<10000x128xf32, #tpu.memory_space<hbm>>
    tpu.wait_indirect_dma semaphore(%arg32 : memref<!tpu.dma_semaphore, #tpu.memory_space<semaphore_mem>>) src(%dma_wait3A_105 : memref<10000x128xf32, #tpu.memory_space<hbm>>) dst(%arg18 : memref<16x128xf32, #tpu.memory_space<vmem>>)
    %dma_start3A_106 = arith.constant 0 : i32
    %dma_start3A_107 = arith.constant 0 : i32
    %dma_start3A_108 = tpu.memref_slice %arg19[%dma_start3A_106, %dma_start3A_107] : memref<10000x128xf32, #tpu.memory_space<vmem_shared>> -> memref<10000x128xf32, #tpu.memory_space<vmem_shared>>
    tpu.enqueue_indirect_dma source(%arg18 : memref<16x128xf32, #tpu.memory_space<vmem>>) target(%dma_start3A_108 : memref<10000x128xf32, #tpu.memory_space<vmem_shared>>) offsets(%arg17 : memref<16xi32, #tpu.memory_space<vmem>>) semaphore(%arg33 : memref<!tpu.dma_semaphore, #tpu.memory_space<semaphore_mem>>) {add = true}
    %dma_wait3A_109 = arith.constant 0 : i32
    %dma_wait3A_110 = arith.constant 0 : i32
    %dma_wait3A_111 = tpu.memref_slice %arg19[%dma_wait3A_109, %dma_wait3A_110] : memref<10000x128xf32, #tpu.memory_space<vmem_shared>> -> memref<10000x128xf32, #tpu.memory_space<vmem_shared>>
    tpu.wait_indirect_dma semaphore(%arg30 : memref<!tpu.dma_semaphore, #tpu.memory_space<semaphore_mem>>) src(%arg14 : memref<128x128xf32, #tpu.memory_space<vmem>>) dst(%dma_wait3A_111 : memref<10000x128xf32, #tpu.memory_space<vmem_shared>>)
    %dma_wait3A_112 = arith.constant 0 : i32
    %dma_wait3A_113 = arith.constant 0 : i32
    %dma_wait3A_114 = tpu.memref_slice %arg19[%dma_wait3A_112, %dma_wait3A_113] : memref<10000x128xf32, #tpu.memory_space<vmem_shared>> -> memref<10000x128xf32, #tpu.memory_space<vmem_shared>>
    tpu.wait_indirect_dma semaphore(%arg31 : memref<!tpu.dma_semaphore, #tpu.memory_space<semaphore_mem>>) src(%arg15 : memref<128x128xf32, #tpu.memory_space<vmem>>) dst(%dma_wait3A_114 : memref<10000x128xf32, #tpu.memory_space<vmem_shared>>)
    %dma_wait3A_115 = arith.constant 0 : i32
    %dma_wait3A_116 = arith.constant 0 : i32
    %dma_wait3A_117 = tpu.memref_slice %arg19[%dma_wait3A_115, %dma_wait3A_116] : memref<10000x128xf32, #tpu.memory_space<vmem_shared>> -> memref<10000x128xf32, #tpu.memory_space<vmem_shared>>
    tpu.wait_indirect_dma semaphore(%arg33 : memref<!tpu.dma_semaphore, #tpu.memory_space<semaphore_mem>>) src(%arg18 : memref<16x128xf32, #tpu.memory_space<vmem>>) dst(%dma_wait3A_117 : memref<10000x128xf32, #tpu.memory_space<vmem_shared>>)
    %barrier3A_118 = arith.constant 0 : index
    tpu.barrier barrier_id(%barrier3A_118)
    %lt3A_119 = arith.constant 15 : i32
    %lt3A_120 = arith.cmpi slt, %arg1, %lt3A_119 : i32
    %convert_element_type3A_121 = arith.extui %lt3A_120 : i1 to i32
    %cond3A_122 = arith.constant 0 : i32
    %cond3A_123 = arith.cmpi ne, %convert_element_type3A_121, %cond3A_122 : i32
    scf.if %cond3A_123 {
      "tpu.region"() ({
        %run_scoped3A = tpu.sem_alloc : memref<!tpu.dma_semaphore, #tpu.memory_space<semaphore_mem>>
        %dma_start3A_129 = arith.constant 0 : i32
        %dma_start3A_130 = tpu.memref_slice %arg5[%arg0, %mul3A_0, %dma_start3A_129] : memref<2x10000x128xf32, #tpu.memory_space<hbm>> -> memref<1x632x128xf32, #tpu.memory_space<hbm>>
        %dma_start3A_131 = tpu.memref_squeeze %dma_start3A_130 : memref<1x632x128xf32, #tpu.memory_space<hbm>> -> memref<632x128xf32, #tpu.memory_space<hbm>>
        %dma_start3A_132 = arith.constant 0 : i32
        %dma_start3A_133 = tpu.memref_slice %arg19[%mul3A_0, %dma_start3A_132] : memref<10000x128xf32, #tpu.memory_space<vmem_shared>> -> memref<632x128xf32, #tpu.memory_space<vmem_shared>>
        tpu.enqueue_dma source(%dma_start3A_133 : memref<632x128xf32, #tpu.memory_space<vmem_shared>>) target(%dma_start3A_131 : memref<632x128xf32, #tpu.memory_space<hbm>>) target_semaphore(%run_scoped3A : memref<!tpu.dma_semaphore, #tpu.memory_space<semaphore_mem>>)
        %dma_wait3A_134 = arith.constant 0 : i32
        %dma_wait3A_135 = tpu.memref_slice %arg5[%arg0, %mul3A_0, %dma_wait3A_134] : memref<2x10000x128xf32, #tpu.memory_space<hbm>> -> memref<1x632x128xf32, #tpu.memory_space<hbm>>
        %dma_wait3A_136 = tpu.memref_squeeze %dma_wait3A_135 : memref<1x632x128xf32, #tpu.memory_space<hbm>> -> memref<632x128xf32, #tpu.memory_space<hbm>>
        %dma_wait3A_137 = arith.constant 0 : i32
        %dma_wait3A_138 = tpu.memref_slice %arg19[%mul3A_0, %dma_wait3A_137] : memref<10000x128xf32, #tpu.memory_space<vmem_shared>> -> memref<632x128xf32, #tpu.memory_space<vmem_shared>>
        tpu.wait_dma2 semaphore(%run_scoped3A : memref<!tpu.dma_semaphore, #tpu.memory_space<semaphore_mem>>) src(%dma_wait3A_138 : memref<632x128xf32, #tpu.memory_space<vmem_shared>>) dst(%dma_wait3A_136 : memref<632x128xf32, #tpu.memory_space<hbm>>)
        tpu.yield
      }) : () -> ()
    } else {
    }
    %eq3A_124 = arith.constant 15 : i32
    %eq3A_125 = arith.cmpi eq, %arg1, %eq3A_124 : i32
    %convert_element_type3A_126 = arith.extui %eq3A_125 : i1 to i32
    %cond3A_127 = arith.constant 0 : i32
    %cond3A_128 = arith.cmpi ne, %convert_element_type3A_126, %cond3A_127 : i32
    scf.if %cond3A_128 {
      "tpu.region"() ({
        %run_scoped3A = tpu.sem_alloc : memref<!tpu.dma_semaphore, #tpu.memory_space<semaphore_mem>>
        %dma_start3A_129 = arith.constant 0 : i32
        %dma_start3A_130 = tpu.memref_slice %arg5[%arg0, %mul3A_0, %dma_start3A_129] : memref<2x10000x128xf32, #tpu.memory_space<hbm>> -> memref<1x520x128xf32, #tpu.memory_space<hbm>>
        %dma_start3A_131 = tpu.memref_squeeze %dma_start3A_130 : memref<1x520x128xf32, #tpu.memory_space<hbm>> -> memref<520x128xf32, #tpu.memory_space<hbm>>
        %dma_start3A_132 = arith.constant 0 : i32
        %dma_start3A_133 = tpu.memref_slice %arg19[%mul3A_0, %dma_start3A_132] : memref<10000x128xf32, #tpu.memory_space<vmem_shared>> -> memref<520x128xf32, #tpu.memory_space<vmem_shared>>
        tpu.enqueue_dma source(%dma_start3A_133 : memref<520x128xf32, #tpu.memory_space<vmem_shared>>) target(%dma_start3A_131 : memref<520x128xf32, #tpu.memory_space<hbm>>) target_semaphore(%run_scoped3A : memref<!tpu.dma_semaphore, #tpu.memory_space<semaphore_mem>>)
        %dma_wait3A_134 = arith.constant 0 : i32
        %dma_wait3A_135 = tpu.memref_slice %arg5[%arg0, %mul3A_0, %dma_wait3A_134] : memref<2x10000x128xf32, #tpu.memory_space<hbm>> -> memref<1x520x128xf32, #tpu.memory_space<hbm>>
        %dma_wait3A_136 = tpu.memref_squeeze %dma_wait3A_135 : memref<1x520x128xf32, #tpu.memory_space<hbm>> -> memref<520x128xf32, #tpu.memory_space<hbm>>
        %dma_wait3A_137 = arith.constant 0 : i32
        %dma_wait3A_138 = tpu.memref_slice %arg19[%mul3A_0, %dma_wait3A_137] : memref<10000x128xf32, #tpu.memory_space<vmem_shared>> -> memref<520x128xf32, #tpu.memory_space<vmem_shared>>
        tpu.wait_dma2 semaphore(%run_scoped3A : memref<!tpu.dma_semaphore, #tpu.memory_space<semaphore_mem>>) src(%dma_wait3A_138 : memref<520x128xf32, #tpu.memory_space<vmem_shared>>) dst(%dma_wait3A_136 : memref<520x128xf32, #tpu.memory_space<hbm>>)
        tpu.yield
      }) : () -> ()
    } else {
    }
    return
  }
}

module attributes {stable_mosaic.version = 14 : i64} {
  func.func @_dense0(%arg0: memref<2x10000x128xf32, #tpu.memory_space<vmem>>, %arg1: memref<10000x128xf32, #tpu.memory_space<vmem>>, %arg2: memref<128x128xf32, #tpu.memory_space<vmem>>, %arg3: memref<1x128xf32, #tpu.memory_space<vmem>>, %arg4: memref<128x128xf32, #tpu.memory_space<vmem>>, %arg5: memref<128x128xf32, #tpu.memory_space<vmem>>, %arg6: memref<1x128xf32, #tpu.memory_space<vmem>>, %arg7: memref<10000x128xf32, #tpu.memory_space<vmem>>, %arg8: memref<10000x128xbf16, #tpu.memory_space<vmem>>) attributes {dimension_semantics = [], scalar_prefetch = 0 : i64, scratch_operands = 0 : i64, tpu.core_type = #tpu.core_type<tc>} {
    %get3A = arith.constant 0 : index
    %get3A_0 = arith.constant 0 : index
    %get3A_1 = arith.constant 0 : index
    %get3A_2 = vector.load %arg0[%get3A, %get3A_0, %get3A_1] : memref<2x10000x128xf32, #tpu.memory_space<vmem>>, vector<1x10000x128xf32>
    %get3A_3 = vector.shape_cast %get3A_2 : vector<1x10000x128xf32> to vector<10000x128xf32>
    %get3A_4 = arith.constant 1 : index
    %get3A_5 = arith.constant 0 : index
    %get3A_6 = arith.constant 0 : index
    %get3A_7 = vector.load %arg0[%get3A_4, %get3A_5, %get3A_6] : memref<2x10000x128xf32, #tpu.memory_space<vmem>>, vector<1x10000x128xf32>
    %get3A_8 = vector.shape_cast %get3A_7 : vector<1x10000x128xf32> to vector<10000x128xf32>
    %add3A = arith.addf %get3A_3, %get3A_8 : vector<10000x128xf32>
    %get3A_9 = arith.constant 0 : index
    %get3A_10 = arith.constant 0 : index
    %get3A_11 = vector.load %arg1[%get3A_9, %get3A_10] : memref<10000x128xf32, #tpu.memory_space<vmem>>, vector<10000x128xf32>
    %sub3A = arith.subf %add3A, %get3A_11 : vector<10000x128xf32>
    %get3A_12 = arith.constant 0 : index
    %get3A_13 = arith.constant 0 : index
    %get3A_14 = vector.load %arg2[%get3A_12, %get3A_13] : memref<128x128xf32, #tpu.memory_space<vmem>>, vector<128x128xf32>
    %dot_general3A = arith.constant dense<0.000000e+00> : vector<10000x128xf32>
    %dot_general3A_15 = tpu.matmul %sub3A, %get3A_14, %dot_general3A {dimension_numbers = #tpu.dot_dimension_numbers<[1], [0], [0], [1], [0, 0, 1, 1], [], []>, transpose_lhs_hint = false} : vector<10000x128xf32>, vector<128x128xf32>, vector<10000x128xf32> -> vector<10000x128xf32>
    %get3A_16 = arith.constant 0 : index
    %get3A_17 = arith.constant 0 : index
    %get3A_18 = vector.load %arg3[%get3A_16, %get3A_17] : memref<1x128xf32, #tpu.memory_space<vmem>>, vector<1x128xf32>
    %add3A_19 = vector.broadcast %get3A_18 : vector<1x128xf32> to vector<10000x128xf32>
    %add3A_20 = arith.addf %dot_general3A_15, %add3A_19 : vector<10000x128xf32>
    %max3A = arith.constant 0.000000e+00 : f32
    %max3A_21 = vector.broadcast %max3A : f32 to vector<10000x128xf32>
    %max3A_22 = arith.maximumf %add3A_20, %max3A_21 : vector<10000x128xf32>
    %get3A_23 = arith.constant 0 : index
    %get3A_24 = arith.constant 0 : index
    %get3A_25 = vector.load %arg4[%get3A_23, %get3A_24] : memref<128x128xf32, #tpu.memory_space<vmem>>, vector<128x128xf32>
    %dot_general3A_26 = arith.constant dense<0.000000e+00> : vector<10000x128xf32>
    %dot_general3A_27 = tpu.matmul %max3A_22, %get3A_25, %dot_general3A_26 {dimension_numbers = #tpu.dot_dimension_numbers<[1], [0], [0], [1], [0, 0, 1, 1], [], []>, transpose_lhs_hint = false} : vector<10000x128xf32>, vector<128x128xf32>, vector<10000x128xf32> -> vector<10000x128xf32>
    %swap3A = arith.constant 0 : index
    %swap3A_28 = arith.constant 0 : index
    %swap3A_29 = vector.load %arg7[%swap3A, %swap3A_28] : memref<10000x128xf32, #tpu.memory_space<vmem>>, vector<10000x128xf32>
    tpu.vector_store %arg7[%swap3A, %swap3A_28], %dot_general3A_27 {strides = array<i32>} : memref<10000x128xf32, #tpu.memory_space<vmem>>, vector<10000x128xf32>,
    %get3A_30 = arith.constant 0 : index
    %get3A_31 = arith.constant 0 : index
    %get3A_32 = vector.load %arg5[%get3A_30, %get3A_31] : memref<128x128xf32, #tpu.memory_space<vmem>>, vector<128x128xf32>
    %dot_general3A_33 = arith.constant dense<0.000000e+00> : vector<10000x128xf32>
    %dot_general3A_34 = tpu.matmul %sub3A, %get3A_32, %dot_general3A_33 {dimension_numbers = #tpu.dot_dimension_numbers<[1], [0], [0], [1], [0, 0, 1, 1], [], []>, transpose_lhs_hint = false} : vector<10000x128xf32>, vector<128x128xf32>, vector<10000x128xf32> -> vector<10000x128xf32>
    %get3A_35 = arith.constant 0 : index
    %get3A_36 = arith.constant 0 : index
    %get3A_37 = vector.load %arg6[%get3A_35, %get3A_36] : memref<1x128xf32, #tpu.memory_space<vmem>>, vector<1x128xf32>
    %add3A_38 = vector.broadcast %get3A_37 : vector<1x128xf32> to vector<10000x128xf32>
    %add3A_39 = arith.addf %dot_general3A_34, %add3A_38 : vector<10000x128xf32>
    %sub3A_40 = arith.subf %add3A_39, %dot_general3A_27 : vector<10000x128xf32>
    %convert_element_type3A = arith.truncf %sub3A_40 : vector<10000x128xf32> to vector<10000x128xbf16>
    %swap3A_41 = arith.constant 0 : index
    %swap3A_42 = arith.constant 0 : index
    %swap3A_43 = vector.load %arg8[%swap3A_41, %swap3A_42] : memref<10000x128xbf16, #tpu.memory_space<vmem>>, vector<10000x128xbf16>
    tpu.vector_store %arg8[%swap3A_41, %swap3A_42], %convert_element_type3A {strides = array<i32>} : memref<10000x128xbf16, #tpu.memory_space<vmem>>, vector<10000x128xbf16>,
    return
  }
}

module attributes {stable_mosaic.version = 14 : i64} {
  func.func @_dense1(%arg0: memref<2x10000x128xf32, #tpu.memory_space<vmem>>, %arg1: memref<10000x128xbf16, #tpu.memory_space<vmem>>, %arg2: memref<1x10000xf32, #tpu.memory_space<vmem>>, %arg3: memref<16x1xi32, #tpu.memory_space<vmem>>, %arg4: memref<16x1xi32, #tpu.memory_space<vmem>>, %arg5: memref<128x64xf32, #tpu.memory_space<vmem>>, %arg6: memref<1x64xf32, #tpu.memory_space<vmem>>, %arg7: memref<16x64xf32, #tpu.memory_space<vmem>>) attributes {dimension_semantics = [], scalar_prefetch = 0 : i64, scratch_operands = 0 : i64, tpu.core_type = #tpu.core_type<tc>} {
    %get3A = arith.constant 0 : index
    %get3A_0 = arith.constant 0 : index
    %get3A_1 = arith.constant 0 : index
    %get3A_2 = vector.load %arg0[%get3A, %get3A_0, %get3A_1] : memref<2x10000x128xf32, #tpu.memory_space<vmem>>, vector<1x10000x128xf32>
    %get3A_3 = vector.shape_cast %get3A_2 : vector<1x10000x128xf32> to vector<10000x128xf32>
    %get3A_4 = arith.constant 1 : index
    %get3A_5 = arith.constant 0 : index
    %get3A_6 = arith.constant 0 : index
    %get3A_7 = vector.load %arg0[%get3A_4, %get3A_5, %get3A_6] : memref<2x10000x128xf32, #tpu.memory_space<vmem>>, vector<1x10000x128xf32>
    %get3A_8 = vector.shape_cast %get3A_7 : vector<1x10000x128xf32> to vector<10000x128xf32>
    %add3A = arith.addf %get3A_3, %get3A_8 : vector<10000x128xf32>
    %get3A_9 = arith.constant 0 : index
    %get3A_10 = arith.constant 0 : index
    %get3A_11 = vector.load %arg1[%get3A_9, %get3A_10] : memref<10000x128xbf16, #tpu.memory_space<vmem>>, vector<10000x128xbf16>
    %convert_element_type3A = arith.extf %get3A_11 : vector<10000x128xbf16> to vector<10000x128xf32>
    %add3A_12 = arith.addf %add3A, %convert_element_type3A : vector<10000x128xf32>
    %max3A = arith.constant 0.000000e+00 : f32
    %max3A_13 = vector.broadcast %max3A : f32 to vector<10000x128xf32>
    %max3A_14 = arith.maximumf %add3A_12, %max3A_13 : vector<10000x128xf32>
    %iota3A = tpu.iota {dimensions = array<i32: 1>} : vector<16x10000xi32>
    %get3A_15 = arith.constant 0 : index
    %get3A_16 = arith.constant 0 : index
    %get3A_17 = vector.load %arg3[%get3A_15, %get3A_16] : memref<16x1xi32, #tpu.memory_space<vmem>>, vector<16x1xi32>
    %ge3A = vector.broadcast %get3A_17 : vector<16x1xi32> to vector<16x10000xi32>
    %ge3A_18 = arith.cmpi sge, %iota3A, %ge3A : vector<16x10000xi32>
    %get3A_19 = arith.constant 0 : index
    %get3A_20 = arith.constant 0 : index
    %get3A_21 = vector.load %arg4[%get3A_19, %get3A_20] : memref<16x1xi32, #tpu.memory_space<vmem>>, vector<16x1xi32>
    %lt3A = vector.broadcast %get3A_21 : vector<16x1xi32> to vector<16x10000xi32>
    %lt3A_22 = arith.cmpi slt, %iota3A, %lt3A : vector<16x10000xi32>
    %and3A = arith.andi %ge3A_18, %lt3A_22 : vector<16x10000xi1>
    %get3A_23 = arith.constant 0 : index
    %get3A_24 = arith.constant 0 : index
    %get3A_25 = vector.load %arg2[%get3A_23, %get3A_24] : memref<1x10000xf32, #tpu.memory_space<vmem>>, vector<1x10000xf32>
    %jit3A = arith.constant 0.000000e+00 : f32
    %broadcast_in_dim3A = vector.shape_cast %get3A_25 : vector<1x10000xf32> to vector<1x10000xf32>
    %broadcast_in_dim3A_26 = vector.broadcast %broadcast_in_dim3A : vector<1x10000xf32> to vector<16x10000xf32>
    %broadcast_in_dim3A_27 = vector.broadcast %jit3A : f32 to vector<16x10000xf32>
    %select_n3A = arith.select %and3A, %broadcast_in_dim3A_26, %broadcast_in_dim3A_27 : vector<16x10000xi1>, vector<16x10000xf32>
    %dot_general3A = arith.constant dense<0.000000e+00> : vector<16x128xf32>
    %dot_general3A_28 = tpu.matmul %select_n3A, %max3A_14, %dot_general3A {dimension_numbers = #tpu.dot_dimension_numbers<[1], [0], [0], [1], [0, 0, 1, 1], [], []>, transpose_lhs_hint = false} : vector<16x10000xf32>, vector<10000x128xf32>, vector<16x128xf32> -> vector<16x128xf32>
    %get3A_29 = arith.constant 0 : index
    %get3A_30 = arith.constant 0 : index
    %get3A_31 = vector.load %arg5[%get3A_29, %get3A_30] : memref<128x64xf32, #tpu.memory_space<vmem>>, vector<128x64xf32>
    %dot_general3A_32 = arith.constant dense<0.000000e+00> : vector<16x64xf32>
    %dot_general3A_33 = tpu.matmul %dot_general3A_28, %get3A_31, %dot_general3A_32 {dimension_numbers = #tpu.dot_dimension_numbers<[1], [0], [0], [1], [0, 0, 1, 1], [], []>, transpose_lhs_hint = false} : vector<16x128xf32>, vector<128x64xf32>, vector<16x64xf32> -> vector<16x64xf32>
    %get3A_34 = arith.constant 0 : index
    %get3A_35 = arith.constant 0 : index
    %get3A_36 = vector.load %arg6[%get3A_34, %get3A_35] : memref<1x64xf32, #tpu.memory_space<vmem>>, vector<1x64xf32>
    %add3A_37 = vector.broadcast %get3A_36 : vector<1x64xf32> to vector<16x64xf32>
    %add3A_38 = arith.addf %dot_general3A_33, %add3A_37 : vector<16x64xf32>
    %swap3A = arith.constant 0 : index
    %swap3A_39 = arith.constant 0 : index
    %swap3A_40 = vector.load %arg7[%swap3A, %swap3A_39] : memref<16x64xf32, #tpu.memory_space<vmem>>, vector<16x64xf32>
    tpu.vector_store %arg7[%swap3A, %swap3A_39], %add3A_38 {strides = array<i32>} : memref<16x64xf32, #tpu.memory_space<vmem>>, vector<16x64xf32>,
    return
  }
}

</mosaic_0001>

<sc_bundles>
// kernel: kernel.6.cloned.1.call-start
scs
__scs_entry_jumppad:
0x0: {  	(pc) =	sbr.rel $0x88, $3  }
0x1: {  	(tag) =	ssettag $0x0;
	lr =	simm.s32 $0x1  }
0x2: {  	[smem:$0x3F96] =	sst lr;
	_ =	strace $0xD0000000  }
0x3: {  	_ = 	snop  }
0x4: {  	_ = 	snop  }
0x5: {  	_ = 	snop  }
0x6: {  	_ = 	snop  }
0x7: {  	_ = 	snop  }
__scs_overlays_trampoline_lowered:
0x8: {  	[smem:$0x3FA5] =	sst s0  }
0x9: {  	[smem:$0x3FA6] =	sst s1  }
0xa: {  	[smem:$0x3FA7] =	sst s2  }
0xb: {  	[smem:$0x3FA8] =	sst s3  }
0xc: {  	[smem:$0x3FA9] =	sst s4  }
0xd: {  	[smem:$0x3FAA] =	sst s5  }
0xe: {  	[smem:$0x3FAB] =	sst s6  }
0xf: {  	[smem:$0x3FAC] =	sst s7  }
0x10: {  	[smem:$0x3FAD] =	sst s8  }
0x11: {  	[smem:$0x3FAE] =	sst s9;
	s0 =	simm.s32 @!p0 $0x0  }
0x12: {  	s1 =	sld [smem:$0x3F94];
	s0 =	simm.s32 @p0 $0x1  }
0x13: {  	[smem:$0x3FAF] =	sst s0;
	s0 =	simm.s32 @!p1 $0x0  }
0x14: {  	s2 =	sld [smem:$0x3F93];
	s0 =	simm.s32 @p1 $0x1  }
0x15: {  	[smem:$0x3FB0] =	sst s0;
	s0 =	simm.s32 @!p2 $0x0  }
0x16: {  	s3 =	sld [smem:$0x3FDB];
	s0 =	simm.s32 @p2 $0x1  }
0x17: {  	s4 =	simm.s32 $0x1BF5;
	[smem:$0x3FB2] =	sst s0  }
0x18: {  	s0 =	sld [smem:$0x3F95];
	_ =	swait.ge [sflag:s4], $0x0  }
0x19: {  	s7 =	sld [smem:$0x3F96]  }
0x1a: {  	s8 =	sadd.s32 $0xFFFFE003, lr  }
0x1b: {  	s9 =	sadd.s32 $0xFFFFFEF7, lr;
	s5 =	simm.s32 $0xFFFFFFFF;
	p2 =	slt.u32 s8, $0xFFFFF086  }
0x1c: {  	p1 =	slt.u32 s9, $0xF7A;
	s5 =	simm.s32 @!p2 $0x0  }
0x1d: {  	s5 =	simm.s32 @p1 $0x1;
	p0 =	seq.s32 s7, s2  }
0x1e: {  	s7 =	smul.u32 @!p0 $0xF7A, s2;
	p2 =	seq.s32 @!p0 s5, $0x0  }
0x1f: {  	s9 =	smul.u32 $0xF7A, s1;
	s8 =	simm.s32 @!p0 $0x1BF5;
	p2 =	por !p2, p0  }
0x20: {  	[sflag:s8] =	ssyncset.s32 @!p0 $0xFFFFF086;
	s6 =	sadd.s32 @!p0 s3, s7;
	s7 =	simm.s32 @!p0 $0x108  }
0x21: {  	s3 =	sadd.s32 s3, s9;
	s6 =	sadd.s32 @!p0 $0x88, s6;
	s7 =	simm.s32 @p2 $0x1082  }
0x22: {  	[simem:s7], [sflag:s8] =	dma.local @!p0 [hbm:s6], $0xF7A  }
0x23: {  	s9 =	sor.u32 $0xD0000000, s2;
	s6 =	simm.s32 $0x108;
	_ =	swait.ge @!p0 [sflag:s8], $0x0  }
0x24: {  	s3 =	sadd.s32 $0x88, s3;
	s6 =	simm.s32 @!p1 $0x1082;
	[sflag:s4] =	ssyncset.s32 $0xFFFFF086  }
0x25: {  	[simem:s6], [sflag:s4] =	dma.local [hbm:s3], $0xF7A  }
0x26: {  	[smem:$0x3F96] =	sst s1;
	(tag) =	ssettag s2;
	_ =	strace s9  }
0x27: {  	s1 =	sld [smem:$0x3FA6]  }
0x28: {  	s2 =	sld [smem:$0x3FA7]  }
0x29: {  	s4 =	sld [smem:$0x3FA9]  }
0x2a: {  	p0 =	seq.s32 s5, $0x0;
	s5 =	sld [smem:$0x3FAA]  }
0x2b: {  	s6 =	sld [smem:$0x3FAB]  }
0x2c: {  	s7 =	sld [smem:$0x3FAC]  }
0x2d: {  	s3 =	simm.s32 $0x108;
	s8 =	sld [smem:$0x3FAD]  }
0x2e: {  	s3 =	simm.s32 @!p0 $0x1082;
	s9 =	sld [smem:$0x3FAE]  }
0x2f: {  	lr =	sadd.s32 s0, s3;
	s0 =	sld [smem:$0x3FA5]  }
0x30: {  	s3 =	sld [smem:$0x3FA8]  }
0x31: {  	[smem:$0x3FB1] =	sst s10  }
0x32: {  	s10 =	sld [smem:$0x3FAF];
	_ =	sdelay $0x3  }
0x33: {  	p0 =	seq.s32 s10, $0x1;
	s10 =	sld [smem:$0x3FB1];
	_ =	sdelay $0x3  }
0x34: {  	[smem:$0x3FB1] =	sst s10  }
0x35: {  	s10 =	sld [smem:$0x3FB0];
	_ =	sdelay $0x3  }
0x36: {  	p1 =	seq.s32 s10, $0x1;
	s10 =	sld [smem:$0x3FB1];
	_ =	sdelay $0x3  }
0x37: {  	[smem:$0x3FB1] =	sst s10  }
0x38: {  	s10 =	sld [smem:$0x3FB2]  }
0x39: {  	_ = 	snop;
	(pc) =	sbr.ind lr, $3  }
0x3a: {  	_ = 	snop  }
0x3b: {  	_ = 	snop  }
0x3c: {  	p2 =	seq.s32 s10, $0x1;
	s10 =	sld [smem:$0x3FB1]  }
0x3d: {  	_ =	shalt  }
0x3e: {  	_ =	shalt  }
0x3f: {  	_ =	shalt  }
0x40: {  	_ =	shalt  }
0x41: {  	_ =	shalt  }
0x42: {  	_ =	shalt  }
0x43: {  	_ =	shalt  }
0x44: {  	_ =	shalt  }
0x45: {  	_ =	shalt  }
0x46: {  	_ =	shalt  }
0x47: {  	_ =	shalt  }
0x48: {  	_ =	shalt  }
0x49: {  	_ =	shalt  }
0x4a: {  	_ =	shalt  }
0x4b: {  	_ =	shalt  }
0x4c: {  	_ =	shalt  }
0x4d: {  	_ =	shalt  }
0x4e: {  	_ =	shalt  }
0x4f: {  	_ =	shalt  }
0x50: {  	_ =	shalt  }
0x51: {  	_ =	shalt  }
0x52: {  	_ =	shalt  }
0x53: {  	_ =	shalt  }
0x54: {  	_ =	shalt  }
0x55: {  	_ =	shalt  }
0x56: {  	_ =	shalt  }
0x57: {  	_ =	shalt  }
0x58: {  	_ =	shalt  }
0x59: {  	_ =	shalt  }
0x5a: {  	_ =	shalt  }
0x5b: {  	_ =	shalt  }
0x5c: {  	_ =	shalt  }
0x5d: {  	_ =	shalt  }
0x5e: {  	_ =	shalt  }
0x5f: {  	_ =	shalt  }
0x60: {  	_ =	shalt  }
0x61: {  	_ =	shalt  }
0x62: {  	_ =	shalt  }
0x63: {  	_ =	shalt  }
0x64: {  	_ =	shalt  }
0x65: {  	_ =	shalt  }
0x66: {  	_ =	shalt  }
0x67: {  	_ =	shalt  }
0x68: {  	_ =	shalt  }
0x69: {  	_ =	shalt  }
0x6a: {  	_ =	shalt  }
0x6b: {  	_ =	shalt  }
0x6c: {  	_ =	shalt  }
0x6d: {  	_ =	shalt  }
0x6e: {  	_ =	shalt  }
0x6f: {  	_ =	shalt  }
0x70: {  	_ =	shalt  }
0x71: {  	_ =	shalt  }
0x72: {  	_ =	shalt  }
0x73: {  	_ =	shalt  }
0x74: {  	_ =	shalt  }
0x75: {  	_ =	shalt  }
0x76: {  	_ =	shalt  }
0x77: {  	_ =	shalt  }
0x78: {  	_ =	shalt  }
0x79: {  	_ =	shalt  }
0x7a: {  	_ =	shalt  }
0x7b: {  	_ =	shalt  }
0x7c: {  	_ =	shalt  }
0x7d: {  	_ =	shalt  }
0x7e: {  	_ =	shalt  }
0x7f: {  	_ =	shalt  }
0x80: {  	_ =	shalt  }
0x81: {  	_ =	shalt  }
0x82: {  	_ =	shalt  }
0x83: {  	_ =	shalt  }
0x84: {  	_ =	shalt  }
0x85: {  	_ =	shalt  }
0x86: {  	_ =	shalt  }
0x87: {  	_ =	shalt  }
.Lfunc_end0:
.L_simem_size_0:
called_computation_lowered:
.L_overlay_start_0:
0x88: {  	s2 =	sld [smem:$0x3FD9]  }
0x89: {  	s3 =	sld [smem:$0x3FFE];
	_ =	sdelay $0x1  }
0x8a: {  	s1 =	srdreg.scid  }
0x8b: {  	s0 =	sand.u32 $0x1, s1  }
0x8c: {  	s17 =	sshll.u32 s0, $0xA;
	s2 =	sadd.s32 s3, s2  }
0x8d: {  	s2 =	sadd.s32 s2, s17  }
0x8e: {  	[smem:$0x3FBD] =	sst s2  }
0x8f: {  	_ = 	snop  }
0x90: {  	s2 =	sld [smem:$0x3FC9]  }
0x91: {  	s18 =	sld [smem:$0x3FC8]  }
0x92: {  	s4 =	sld [smem:$0x3FC7];
	(tm) =	ssettm $0x1  }
0x93: {  	s5 =	sld [smem:$0x3FFB];
	_ =	sdelay $0x3  }
0x94: {  	_ =	strace s5  }
0x95: {  	s5 =	sld [smem:$0x3FFC];
	_ =	sdelay $0x3  }
0x96: {  	_ =	strace s5  }
0x97: {  	s5 =	sld [smem:$0x3FFD];
	_ =	sdelay $0x3  }
0x98: {  	_ =	strace s5  }
0x99: {  	_ =	strace $0x8FFFFFFF  }
0x9a: {  	s19 =	sld [smem:$0x3FDB];
	_ =	sdelay $0x1  }
0x9b: {  	s6 =	simm.s32 $_scs_section_size  }
0x9c: {  	s7 =	simm.s32 $_size__tile_overlayer_lowered;
	s8 =	simm.s32 $_tile_overlayer_lowered  }
0x9d: {  	s22 =	simm.s32 $0x1BFF;
	s21 =	sshll.u32 s8, $0x1;
	s5 =	sadd.s32 s6, s19  }
0x9e: {  	s9 =	simm.s32 $0x0;
	s20 =	sshll.u32 s7, $0x1;
	s7 =	sadd.s32 s21, s5  }
0x9f: {  	[timem:s9], [sflag:s22] =	dma.local [hbm:s7], s20  }
0xa0: {  	_ =	swait.ge [sflag:s22], s20  }
0xa1: {  	s6 =	ssub.s32 $0x0, s20;
	[sflag:s22] =	ssyncset.done $0x0  }
0xa2: {  	[sflag:s22] =	ssyncadd.s32 s6;
	_ =	sdelay $0x1  }
0xa3: {  	s23 =	simm.s32 $0x1B8B  }
0xa4: {  	_ =	swait.ge [sflag:s23], $0x1  }
0xa5: {  	[sflag:s23] =	ssyncset.done $0x0  }
0xa6: {  	s25 =	simm.s32 $0x1B8E;
	s24 =	sld [smem:$0x3FFE];
	[sflag:s23] =	ssyncadd.s32 $0xFFFFFFFF  }
0xa7: {  	s26 =	simm.s32 $execute0_lowered;
	[smem:$0x3FD2] =	sst s25  }
0xa8: {  	s7 =	sshll.u32 s26, $0x1;
	_ =	strace $0x80000046;
	[dreg:$0x1] =	wrdreg $0xFFFFFFFF  }
0xa9: {  	s28 =	simm.s32 $_size_execute0_lowered;
	s5 =	sadd.s32 s5, s7;
	[dreg:$0x0] =	wrdreg $0x0  }
0xaa: {  	s7 =	sshll.u32 s28, $0x1;
	[dreg:$0x2] =	wrdreg s5  }
0xab: {  	[dreg:$0x3] =	wrdreg s7  }
0xac: {  	[dreg:$0x4] =	wrdreg $0xC0  }
0xad: {  	_ =	task [dreg:s9], $0x5FFFF  }
0xae: {  	[dreg:$0x1] =	wrdreg $0xFFFFFFFF  }
0xaf: {  	[dreg:$0x0] =	wrdreg $0x60  }
0xb0: {  	[dreg:$0x2] =	wrdreg s2  }
0xb1: {  	[dreg:$0x3] =	wrdreg s18  }
0xb2: {  	[dreg:$0x4] =	wrdreg s4  }
0xb3: {  	[dreg:$0x5] =	wrdreg s24  }
0xb4: {  	[dreg:$0x6] =	wrdreg $0x8D000  }
0xb5: {  	[dreg:$0x7] =	wrdreg $0x9  }
0xb6: {  	_ =	task.clear_ibuf [dreg:s9], $0x8FFFF;
	_ =	strace $0x90000046  }
0xb7: {  	s29 =	simm.s32 $0x9;
	_ =	strace $0x80000048  }
0xb8: {  	_ =	swait.ge [sflag:s29], $0x1  }
0xb9: {  	[sflag:s29] =	ssyncadd.s32 $0xFFFFFFFF  }
0xba: {  	_ =	strace $0x90000048  }
0xbb: {  	_ =	sfence  }
0xbc: {  	s30 =	sld [smem:$0x0];
	_ =	sdelay $0x2  }
0xbd: {  	s31 =	sshll.u32 s1, $0xD;
	s1 =	sshrl.u32 s1, $0x2  }
0xbe: {  	s3 =	sand.u32 $0x4000, s31;
	s1 =	sadd.s32 s1, s30  }
0xbf: {  	s0 =	sor.u32 s3, s0;
	s1 =	sshll.u32 s1, $0x11  }
0xc0: {  	s0 =	sor.u32 s1, s0  }
0xc1: {  	s0 =	sadd.s32 $0x8F2B, s0  }
0xc2: {  	[sflag:s0] =	ssyncadd.remote.s32 $0x1  }
0xc3: {  	_ =	sfence.sel $0xFFFF  }
0xc4: {  	[dreg:$0x0] =	wrdreg $0xFFFFFFFF;
	(pc) =	sbr.abs _section_cstart, $3  }
0xc5: {  	[dreg:$0x1] =	wrdreg $0xFFFFFFFF  }
0xc6: {  	_ =	task.clear_ibuf [dreg:s9], $0x2FFFF;
	_ =	strace $0x9FFFFFFF  }
0xc7: {  	(tm) =	ssettm $0x7FFFFFFF  }
tec
execute0_lowered:
.L_overlay_start_1:
0x0: {  	(tag) =	ssettag $0x1  }
0x1: {  	s1 =	rddreg [dreg:$0x0]  }
0x2: {  	s3 =	rddreg [dreg:$0x1]  }
0x3: {  	s2 =	rddreg [dreg:$0x2]  }
0x4: {  	s0 =	rddreg [dreg:$0x3]  }
0x5: {  	s4 =	rddreg [dreg:$0x4]  }
0x6: {  	s6 =	simm.s32 $0x0;
	s5 =	srdreg.scid;
	s14 =	stileid.u32  }
0x7: {  	s29 =	simm.s32 $0x1;
	s30 =	simm.s32 $0x5;
	s31 =	simm.s32 $0x400  }
0x8: {  	s28 =	simm.s32 $0x200;
	[smem:$0x7FF] =	sst s6;
	s8 =	smul.u32 $0x4F000, s14  }
0x9: {  	s5 =	sand.u32 $0x1, s5;
	s0 =	sadd.s32 $0x1800, s0;
	s11 =	smul.u32 $0x2780, s14  }
0xa: {  	s25 =	sadd.s32 $0x128400, s4;
	s15 =	sadd.s32 $0x25080, s1;
	s16 =	smul.u32 $0x13C00, s14  }
0xb: {  	s13 =	smul.u32 $0x2710, s14;
	p0 =	seq.s32 s14, $0xF;
	_ =	strace $0x80000047  }
0xc: {  	s7 =	ssub.s32 $0x2, s5;
	[dreg:$0xe] =	wrdreg s25;
	s26 =	smul.u32 $0x138800, s5  }
0xd: {  	s10 =	sshll.u32 s5, $0x4;
	[dreg:$0xf] =	wrdreg s15;
	s5 =	smul.u32 $0x27100, s5  }
0xe: {  	s9 =	sshrl.u32 s7, $0x1;
	s10 =	sor.u32 s14, s10;
	s8 =	sshrl.u32 s8, $0x2  }
0xf: {  	s24 =	sadd.s32 s1, s11;
	s14 =	simm.s32 $0x7;
	s7 =	ssub.s32 s7, s9  }
0x10: {  	s23 =	smul.u32 $0x2710, s10;
	s8 =	sadd.s32 s8, s4;
	[dreg:$0xd] =	wrdreg s24  }
0x11: {  	s10 =	sadd.s32 s16, s26;
	s5 =	sadd.s32 s13, s5;
	[dreg:$0xc] =	wrdreg s8  }
0x12: {  	s10 =	sshrl.u32 s10, $0x3;
	s8 =	sshrl.u32 s26, $0x3;
	s26 =	sadd.s32 $0x300, s5  }
0x13: {  	s9 =	sshrl.u32 s23, $0x3;
	s23 =	sadd.s32 $0x380, s5;
	s10 =	sadd.s32 s0, s10  }
0x14: {  	s0 =	sadd.s32 s0, s8;
	s8 =	simm.s32 $0x6;
	s17 =	sadd.s32 s3, s9  }
0x15: {  	s18 =	sadd.s32 s2, s9;
	s19 =	sadd.s32 $0x10, s9;
	[dreg:$0x16] =	wrdreg s10  }
0x16: {  	s12 =	sadd.s32 $0x20, s9;
	s22 =	sadd.s32 $0x30, s9;
	[dreg:$0x10] =	wrdreg s17  }
0x17: {  	s24 =	sshrl.u32 s23, $0x3;
	s0 =	sadd.s32 $0x25080, s0;
	[dreg:$0x11] =	wrdreg s18  }
0x18: {  	s9 =	sadd.s32 $0x4E0, s9;
	s15 =	sadd.s32 s3, s19;
	[dreg:$0x1b] =	wrdreg s0  }
0x19: {  	s10 =	simm.s32 $0x180;
	s11 =	sadd.s32 s2, s19;
	[dreg:$0x12] =	wrdreg s15  }
0x1a: {  	s20 =	sadd.s32 s3, s12;
	s21 =	sadd.s32 s2, s12;
	[dreg:$0x13] =	wrdreg s11  }
0x1b: {  	s25 =	sadd.s32 s24, s2;
	s13 =	sadd.s32 s24, s3;
	[dreg:$0x14] =	wrdreg s20  }
0x1c: {  	s17 =	sadd.s32 $0x280, s5;
	s23 =	sadd.s32 s2, s9;
	[dreg:$0x15] =	wrdreg s21  }
0x1d: {  	s0 =	smov.u32 s2;
	s12 =	simm.s32 $0x9;
	[dreg:$0x6] =	wrdreg s25  }
0x1e: {  	s15 =	sshrl.u32 s26, $0x3;
	[dreg:$0x7] =	wrdreg s13;
	s19 =	sshrl.u32 s17, $0x3  }
0x1f: {  	s20 =	sadd.s32 s3, s22;
	s11 =	sadd.s32 s2, s22;
	[dreg:$0x1a] =	wrdreg s23  }
0x20: {  	s22 =	sadd.s32 s3, s9;
	s25 =	smax.u32 s7, $0x1;
	[dreg:$0x17] =	wrdreg s20  }
0x21: {  	s26 =	sadd.s32 $0x200, s5;
	s5 =	simm.s32 $0x300;
	[dreg:$0x18] =	wrdreg s11  }
0x22: {  	s7 =	simm.s32 $0x2;
	s9 =	simm.s32 $0x4400;
	[dreg:$0x19] =	wrdreg s22  }
0x23: {  	s13 =	simm.s32 $0x3;
	s17 =	simm.s32 $0x4;
	[dreg:$0x1c] =	wrdreg s25  }
0x24: {  	s16 =	sadd.s32 s15, s2;
	s18 =	sadd.s32 s15, s3;
	[dreg:$0x1d] =	wrdreg s26  }
0x25: {  	s21 =	sadd.s32 s19, s2;
	s24 =	sadd.s32 s19, s3;
	[dreg:$0x8] =	wrdreg s16  }
0x26: {  	s26 =	simm.s32 $0x80;
	s20 =	simm.s32 $0x100;
	[dreg:$0x9] =	wrdreg s18  }
0x27: {  	s11 =	simm.s32 $0x380;
	s15 =	simm.s32 $0xB;
	[dreg:$0xa] =	wrdreg s21  }
0x28: {  	s19 =	simm.s32 $0xC;
	s25 =	simm.s32 $0x380;
	[dreg:$0xb] =	wrdreg s24  }
0x29: {  	s16 =	simm.s32 $0xA;
	s18 =	simm.s32 $0x8;
	s21 =	simm.s32 $0x0  }
.LBB2_1:
0x2a: {  	[dreg:$0x1e] =	wrdreg s21  }
0x2b: {  	s2 =	rddreg [dreg:$0xe]  }
0x2c: {  	s22 =	sshrl.u32 @p0 s2, $0x3;
	s2 =	rddreg [dreg:$0xf]  }
0x2d: {  	s21 =	simm.s32 @p0 $0x1FCD;
	[smem:$0x7FC] =	sst s22  }
0x2e: {  	[spmem:s22], [sflag:s21] =	dma.local @p0 [hbm:s2], $0x2080  }
0x2f: {  	s2 =	stileid.u32  }
0x30: {  	s2 =	sshll.u32 @!p0 s2, $0x6  }
0x31: {  	[dreg:$0x1f] =	wrdreg s2  }
0x32: {  	s21 =	sor.u32 @!p0 $0x1C0D, s2;
	s2 =	rddreg [dreg:$0xc]  }
0x33: {  	s22 =	sshrl.u32 @!p0 s2, $0x3;
	s2 =	rddreg [dreg:$0xd]  }
0x34: {  	[smem:$0x7FD] =	sst s22  }
0x35: {  	[spmem:s22], [sflag:s21] =	dma.local @!p0 [hbm:s2], $0x2780  }
0x36: {  	s2 =	rddreg [dreg:$0x10]  }
0x37: {  	[tilespmem:s6], [sflag:$0x1] =	stream.linear.gather [hbm4b:s2+s6], $0x80, $0x38;
	[tilespmem:$0x1C580] =	vst v63  }
0x38: {  	s22 =	simm.s32 $0x200;
	s23 =	rddreg [dreg:$0x11]  }
0x39: {  	[tilespmem:s22], [sflag:$0x5] =	stream.linear.gather [hbm4b:s23+s6], $0x80, $0x38;
	[tilespmem:$0x1C580] =	vst v63  }
0x3a: {  	s24 =	rddreg [dreg:$0x12]  }
0x3b: {  	[tilespmem:s26], [sflag:$0x2] =	stream.linear.gather [hbm4b:s24+s6], $0x80, $0x38;
	[tilespmem:$0x1C580] =	vst v63  }
0x3c: {  	s21 =	rddreg [dreg:$0x13];
	s24 =	simm.s32 $0x280  }
0x3d: {  	[tilespmem:s24], [sflag:$0x6] =	stream.linear.gather [hbm4b:s21+s6], $0x80, $0x38;
	[tilespmem:$0x1C580] =	vst v63  }
0x3e: {  	_ =	swait.ge [sflag:s29], $0x80  }
0x3f: {  	[sflag:s29] =	ssyncset.done $0x0  }
0x40: {  	[sflag:s29] =	ssyncadd.s32 $0xFFFFFF80  }
0x41: {  	_ =	swait.ge [sflag:s30], $0x80  }
0x42: {  	[sflag:s30] =	ssyncset.done $0x0  }
0x43: {  	[sflag:s30] =	ssyncadd.s32 $0xFFFFFF80  }
0x44: {  	[tilespmem:s31], [sflag:$0x9] =	stream.indirect.gather [hbm4b:s1+s26], $0x80, s6, s26, $0xb8;
	[tilespmem:$0x1C580] =	vst v63  }
0x45: {  	s23 =	rddreg [dreg:$0x14]  }
0x46: {  	[tilespmem:s20], [sflag:$0x3] =	stream.linear.gather [hbm4b:s23+s6], $0x80, $0x38;
	[tilespmem:$0x1C580] =	vst v63  }
0x47: {  	s21 =	rddreg [dreg:$0x15]  }
0x48: {  	[tilespmem:s5], [sflag:$0x7] =	stream.linear.gather [hbm4b:s21+s6], $0x80, $0x38;
	[tilespmem:$0x1C580] =	vst v63  }
0x49: {  	_ =	swait.ge [sflag:s7], $0x80  }
0x4a: {  	[sflag:s7] =	ssyncset.done $0x0  }
0x4b: {  	[sflag:s7] =	ssyncadd.s32 $0xFFFFFF80  }
0x4c: {  	_ =	swait.ge [sflag:s8], $0x80  }
0x4d: {  	[sflag:s8] =	ssyncset.done $0x0  }
0x4e: {  	[sflag:s8] =	ssyncadd.s32 $0xFFFFFF80  }
0x4f: {  	[tilespmem:s9], [sflag:$0xA] =	stream.indirect.gather [hbm4b:s1+s26], $0x80, s26, s26, $0xb8;
	[tilespmem:$0x1C580] =	vst v63  }
0x50: {  	s23 =	rddreg [dreg:$0x17]  }
0x51: {  	[tilespmem:s10], [sflag:$0x4] =	stream.linear.gather [hbm4b:s23+s6], $0x80, $0x38;
	[tilespmem:$0x1C580] =	vst v63  }
0x52: {  	s21 =	rddreg [dreg:$0x18]  }
0x53: {  	[tilespmem:s11], [sflag:$0x8] =	stream.linear.gather [hbm4b:s21+s6], $0x80, $0x38;
	[tilespmem:$0x1C580] =	vst v63  }
0x54: {  	s21 =	simm.s32 @p0 $0xD  }
0x55: {  	_ =	swait.ge @p0 [sflag:s21], $0x2080  }
0x56: {  	[sflag:s21] =	ssyncset.done @p0 $0x0  }
0x57: {  	[sflag:s21] =	ssyncadd.s32 @p0 $0xFFFFDF80;
	s21 =	simm.s32 @!p0 $0xD  }
0x58: {  	_ =	swait.ge @!p0 [sflag:s21], $0x2780  }
0x59: {  	[sflag:s21] =	ssyncset.done @!p0 $0x0  }
0x5a: {  	[sflag:s21] =	ssyncadd.s32 @!p0 $0xFFFFD880  }
0x5b: {  	[bflag:$0x0] =	sbarrier.arrive $0xFFFF  }
0x5c: {  	_ =	swait.ge [sflag:s12], $0x4000  }
0x5d: {  	[sflag:s12] =	ssyncset.done $0x0  }
0x5e: {  	[sflag:s12] =	ssyncadd.s32 $0xFFFFC000  }
0x5f: {  	[spmem:s4] =	stream.indirect.scatter.add.f32 [tilespmem:s31], [sflag:$0xB], $0x80, s22, s26, $0xb8;
	[tilespmem:$0x1C580] =	vst v63  }
0x60: {  	_ =	swait.ge [sflag:s13], $0x80  }
0x61: {  	[sflag:s13] =	ssyncset.done $0x0  }
0x62: {  	[sflag:s13] =	ssyncadd.s32 $0xFFFFFF80  }
0x63: {  	_ =	swait.ge [sflag:s14], $0x80  }
0x64: {  	[sflag:s14] =	ssyncset.done $0x0  }
0x65: {  	[sflag:s14] =	ssyncadd.s32 $0xFFFFFF80  }
0x66: {  	_ =	swait.ge [sflag:s15], $0x4000  }
0x67: {  	[sflag:s15] =	ssyncset.done $0x0;
	s2 =	rddreg [dreg:$0x1d]  }
0x68: {  	[sflag:s15] =	ssyncadd.s32 $0xFFFFC000;
	s21 =	sshrl.u32 s2, $0x3  }
0x69: {  	[tilespmem:s31], [sflag:$0x9] =	stream.indirect.gather [hbm4b:s1+s26], $0x80, s20, s26, $0xb8;
	[tilespmem:$0x1C580] =	vst v63  }
0x6a: {  	s23 =	sadd.s32 s3, s21  }
0x6b: {  	[tilespmem:s6], [sflag:$0x1] =	stream.linear.gather [hbm4b:s23+s6], $0x80, $0x38;
	[tilespmem:$0x1C580] =	vst v63  }
0x6c: {  	s21 =	sadd.s32 s0, s21  }
0x6d: {  	[tilespmem:s22], [sflag:$0x5] =	stream.linear.gather [hbm4b:s21+s6], $0x80, $0x38;
	[tilespmem:$0x1C580] =	vst v63  }
0x6e: {  	_ =	swait.ge [sflag:s16], $0x4000  }
0x6f: {  	[sflag:s16] =	ssyncset.done $0x0  }
0x70: {  	[sflag:s16] =	ssyncadd.s32 $0xFFFFC000  }
0x71: {  	[spmem:s4] =	stream.indirect.scatter.add.f32 [tilespmem:s9], [sflag:$0xC], $0x80, s24, s26, $0xb8;
	[tilespmem:$0x1C580] =	vst v63  }
0x72: {  	_ =	swait.ge [sflag:s17], $0x80  }
0x73: {  	[sflag:s17] =	ssyncset.done $0x0  }
0x74: {  	[sflag:s17] =	ssyncadd.s32 $0xFFFFFF80  }
0x75: {  	_ =	swait.ge [sflag:s18], $0x80  }
0x76: {  	[sflag:s18] =	ssyncset.done $0x0  }
0x77: {  	[sflag:s18] =	ssyncadd.s32 $0xFFFFFF80  }
0x78: {  	_ =	swait.ge [sflag:s19], $0x4000  }
0x79: {  	[sflag:s19] =	ssyncset.done $0x0  }
0x7a: {  	s23 =	rddreg [dreg:$0xb];
	[sflag:s19] =	ssyncadd.s32 $0xFFFFC000  }
0x7b: {  	[tilespmem:s9], [sflag:$0xA] =	stream.indirect.gather [hbm4b:s1+s26], $0x80, s10, s26, $0xb8;
	[tilespmem:$0x1C580] =	vst v63  }
0x7c: {  	s22 =	rddreg [dreg:$0xa];
	s21 =	sadd.s32 $0x0, s23  }
0x7d: {  	[tilespmem:s26], [sflag:$0x2] =	stream.linear.gather [hbm4b:s21+s6], $0x80, $0x38;
	[tilespmem:$0x1C580] =	vst v63  }
0x7e: {  	s23 =	sadd.s32 $0x0, s22  }
0x7f: {  	[tilespmem:s24], [sflag:$0x6] =	stream.linear.gather [hbm4b:s23+s6], $0x80, $0x38;
	[tilespmem:$0x1C580] =	vst v63  }
0x80: {  	_ =	swait.ge [sflag:s12], $0x4000  }
0x81: {  	[sflag:s12] =	ssyncset.done $0x0  }
0x82: {  	[sflag:s12] =	ssyncadd.s32 $0xFFFFC000  }
0x83: {  	[spmem:s4] =	stream.indirect.scatter.add.f32 [tilespmem:s31], [sflag:$0xB], $0x80, s5, s26, $0xb8;
	[tilespmem:$0x1C580] =	vst v63  }
0x84: {  	_ =	swait.ge [sflag:s29], $0x80  }
0x85: {  	[sflag:s29] =	ssyncset.done $0x0  }
0x86: {  	[sflag:s29] =	ssyncadd.s32 $0xFFFFFF80  }
0x87: {  	_ =	swait.ge [sflag:s30], $0x80  }
0x88: {  	[sflag:s30] =	ssyncset.done $0x0  }
0x89: {  	[sflag:s30] =	ssyncadd.s32 $0xFFFFFF80  }
0x8a: {  	_ =	swait.ge [sflag:s15], $0x4000  }
0x8b: {  	p1 =	por $0x0, $0x0;
	[sflag:s15] =	ssyncset.done $0x0  }
0x8c: {  	s22 =	simm.s32 @!p1 $0x100;
	s21 =	rddreg [dreg:$0x9];
	[sflag:s15] =	ssyncadd.s32 $0xFFFFC000  }
0x8d: {  	[tilespmem:s31], [sflag:$0x9] =	stream.indirect.gather [hbm4b:s1+s26], $0x80, s6, s26, $0xb8;
	[tilespmem:$0x1C580] =	vst v63  }
0x8e: {  	s24 =	simm.s32 @!p1 $0x0;
	s23 =	rddreg [dreg:$0x8];
	s21 =	sadd.s32 @!p1 $0x0, s21  }
0x8f: {  	[tilespmem:s22], [sflag:$0x3] =	stream.linear.gather @!p1 [hbm4b:s21+s24], $0x80, $0x38;
	[tilespmem:$0x1C580] =	vst v63  }
0x90: {  	s21 =	sadd.s32 @!p1 $0x0, s23;
	s22 =	simm.s32 @!p1 $0x300  }
0x91: {  	[tilespmem:s22], [sflag:$0x7] =	stream.linear.gather @!p1 [hbm4b:s21+s24], $0x80, $0x38;
	[tilespmem:$0x1C580] =	vst v63  }
0x92: {  	_ =	swait.ge [sflag:s16], $0x4000  }
0x93: {  	[sflag:s16] =	ssyncset.done $0x0  }
0x94: {  	[sflag:s16] =	ssyncadd.s32 $0xFFFFC000  }
0x95: {  	[spmem:s4] =	stream.indirect.scatter.add.f32 [tilespmem:s9], [sflag:$0xC], $0x80, s11, s26, $0xb8;
	[tilespmem:$0x1C580] =	vst v63  }
0x96: {  	_ =	swait.ge [sflag:s7], $0x80  }
0x97: {  	[sflag:s7] =	ssyncset.done $0x0  }
0x98: {  	[sflag:s7] =	ssyncadd.s32 $0xFFFFFF80  }
0x99: {  	_ =	swait.ge [sflag:s8], $0x80  }
0x9a: {  	[sflag:s8] =	ssyncset.done $0x0  }
0x9b: {  	[sflag:s8] =	ssyncadd.s32 $0xFFFFFF80  }
0x9c: {  	_ =	swait.ge [sflag:s19], $0x4000  }
0x9d: {  	[sflag:s19] =	ssyncset.done $0x0  }
0x9e: {  	s21 =	rddreg [dreg:$0x7];
	[sflag:s19] =	ssyncadd.s32 $0xFFFFC000  }
0x9f: {  	[tilespmem:s9], [sflag:$0xA] =	stream.indirect.gather [hbm4b:s1+s26], $0x80, s26, s26, $0xb8;
	[tilespmem:$0x1C580] =	vst v63  }
0xa0: {  	s23 =	simm.s32 @!p1 $0x180;
	s22 =	rddreg [dreg:$0x6];
	s21 =	sadd.s32 @!p1 $0x0, s21  }
0xa1: {  	[tilespmem:s23], [sflag:$0x4] =	stream.linear.gather @!p1 [hbm4b:s21+s24], $0x80, $0x38;
	[tilespmem:$0x1C580] =	vst v63  }
0xa2: {  	s21 =	sadd.s32 @!p1 $0x0, s22;
	s22 =	simm.s32 @!p1 $0x380  }
0xa3: {  	[tilespmem:s22], [sflag:$0x8] =	stream.linear.gather @!p1 [hbm4b:s21+s24], $0x80, $0x38;
	[tilespmem:$0x1C580] =	vst v63  }
0xa4: {  	_ =	swait.ge [sflag:s12], $0x4000  }
0xa5: {  	s10 =	simm.s32 $0x300;
	[sflag:s12] =	ssyncset.done $0x0  }
0xa6: {  	s23 =	simm.s32 $0x40;
	s21 =	sadd.s32 $0x200, s2;
	[sflag:s12] =	ssyncadd.s32 $0xFFFFC000  }
.LBB2_2:
0xa7: {  	s2 =	simm.s32 $0x200  }
0xa8: {  	[spmem:s4] =	stream.indirect.scatter.add.f32 [tilespmem:s31], [sflag:$0xB], $0x80, s2, s26, $0xb8;
	[tilespmem:$0x1C580] =	vst v63  }
0xa9: {  	_ =	swait.ge [sflag:s13], $0x80  }
0xaa: {  	[sflag:s13] =	ssyncset.done $0x0  }
0xab: {  	[sflag:s13] =	ssyncadd.s32 $0xFFFFFF80  }
0xac: {  	_ =	swait.ge [sflag:s14], $0x80  }
0xad: {  	[sflag:s14] =	ssyncset.done $0x0  }
0xae: {  	[sflag:s14] =	ssyncadd.s32 $0xFFFFFF80  }
0xaf: {  	_ =	swait.ge [sflag:s15], $0x4000  }
0xb0: {  	[sflag:s15] =	ssyncset.done $0x0  }
0xb1: {  	s22 =	sshrl.u32 s21, $0x3;
	[sflag:s15] =	ssyncadd.s32 $0xFFFFC000  }
0xb2: {  	[tilespmem:s31], [sflag:$0x9] =	stream.indirect.gather [hbm4b:s1+s26], $0x80, s20, s26, $0xb8;
	[tilespmem:$0x1C580] =	vst v63  }
0xb3: {  	s5 =	sadd.s32 s3, s22  }
0xb4: {  	[tilespmem:s6], [sflag:$0x1] =	stream.linear.gather [hbm4b:s5+s6], $0x80, $0x38;
	[tilespmem:$0x1C580] =	vst v63  }
0xb5: {  	s11 =	sadd.s32 s0, s22  }
0xb6: {  	[tilespmem:s2], [sflag:$0x5] =	stream.linear.gather [hbm4b:s11+s6], $0x80, $0x38;
	[tilespmem:$0x1C580] =	vst v63  }
0xb7: {  	_ =	swait.ge [sflag:s16], $0x4000  }
0xb8: {  	[sflag:s16] =	ssyncset.done $0x0  }
0xb9: {  	s2 =	simm.s32 $0x280;
	[sflag:s16] =	ssyncadd.s32 $0xFFFFC000  }
0xba: {  	[spmem:s4] =	stream.indirect.scatter.add.f32 [tilespmem:s9], [sflag:$0xC], $0x80, s2, s26, $0xb8;
	[tilespmem:$0x1C580] =	vst v63  }
0xbb: {  	_ =	swait.ge [sflag:s17], $0x80  }
0xbc: {  	[sflag:s17] =	ssyncset.done $0x0  }
0xbd: {  	[sflag:s17] =	ssyncadd.s32 $0xFFFFFF80  }
0xbe: {  	_ =	swait.ge [sflag:s18], $0x80  }
0xbf: {  	[sflag:s18] =	ssyncset.done $0x0  }
0xc0: {  	[sflag:s18] =	ssyncadd.s32 $0xFFFFFF80  }
0xc1: {  	_ =	swait.ge [sflag:s19], $0x4000  }
0xc2: {  	s24 =	smov.u32 s23;
	[sflag:s19] =	ssyncset.done $0x0  }
0xc3: {  	s5 =	simm.s32 $0x180;
	s22 =	rddreg [dreg:$0xb];
	[sflag:s19] =	ssyncadd.s32 $0xFFFFC000  }
0xc4: {  	[tilespmem:s9], [sflag:$0xA] =	stream.indirect.gather [hbm4b:s1+s26], $0x80, s5, s26, $0xb8;
	[tilespmem:$0x1C580] =	vst v63  }
0xc5: {  	s11 =	rddreg [dreg:$0xa];
	s20 =	sadd.s32 s24, s22  }
0xc6: {  	[tilespmem:s26], [sflag:$0x2] =	stream.linear.gather [hbm4b:s20+s6], $0x80, $0x38;
	[tilespmem:$0x1C580] =	vst v63  }
0xc7: {  	s22 =	sadd.s32 s24, s11  }
0xc8: {  	[tilespmem:s2], [sflag:$0x6] =	stream.linear.gather [hbm4b:s22+s6], $0x80, $0x38;
	[tilespmem:$0x1C580] =	vst v63  }
0xc9: {  	_ =	swait.ge [sflag:s12], $0x4000  }
0xca: {  	[sflag:s12] =	ssyncset.done $0x0  }
0xcb: {  	[sflag:s12] =	ssyncadd.s32 $0xFFFFC000  }
0xcc: {  	[spmem:s4] =	stream.indirect.scatter.add.f32 [tilespmem:s31], [sflag:$0xB], $0x80, s10, s26, $0xb8;
	[tilespmem:$0x1C580] =	vst v63  }
0xcd: {  	_ =	swait.ge [sflag:s29], $0x80  }
0xce: {  	[sflag:s29] =	ssyncset.done $0x0  }
0xcf: {  	[sflag:s29] =	ssyncadd.s32 $0xFFFFFF80  }
0xd0: {  	_ =	swait.ge [sflag:s30], $0x80  }
0xd1: {  	[sflag:s30] =	ssyncset.done $0x0  }
0xd2: {  	[sflag:s30] =	ssyncadd.s32 $0xFFFFFF80  }
0xd3: {  	p2 =	seq.s32 s24, $0x480;
	_ =	swait.ge [sflag:s15], $0x4000  }
0xd4: {  	s5 =	smov.u32 s0;
	s0 =	smov.u32 s3;
	[sflag:s15] =	ssyncset.done $0x0  }
0xd5: {  	s3 =	simm.s32 @!p2 $0x100;
	s20 =	rddreg [dreg:$0x9];
	[sflag:s15] =	ssyncadd.s32 $0xFFFFC000  }
0xd6: {  	[tilespmem:s31], [sflag:$0x9] =	stream.indirect.gather [hbm4b:s1+s26], $0x80, s6, s26, $0xb8;
	[tilespmem:$0x1C580] =	vst v63  }
0xd7: {  	s2 =	simm.s32 @!p2 $0x0;
	s22 =	rddreg [dreg:$0x8];
	s20 =	sadd.s32 @!p2 s24, s20  }
0xd8: {  	[tilespmem:s3], [sflag:$0x3] =	stream.linear.gather @!p2 [hbm4b:s20+s2], $0x80, $0x38;
	[tilespmem:$0x1C580] =	vst v63  }
0xd9: {  	s3 =	sadd.s32 @!p2 s24, s22;
	s20 =	simm.s32 @!p2 $0x300  }
0xda: {  	[tilespmem:s20], [sflag:$0x7] =	stream.linear.gather @!p2 [hbm4b:s3+s2], $0x80, $0x38;
	[tilespmem:$0x1C580] =	vst v63  }
0xdb: {  	_ =	swait.ge [sflag:s16], $0x4000  }
0xdc: {  	[sflag:s16] =	ssyncset.done $0x0  }
0xdd: {  	[sflag:s16] =	ssyncadd.s32 $0xFFFFC000  }
0xde: {  	[spmem:s4] =	stream.indirect.scatter.add.f32 [tilespmem:s9], [sflag:$0xC], $0x80, s25, s26, $0xb8;
	[tilespmem:$0x1C580] =	vst v63  }
0xdf: {  	_ =	swait.ge [sflag:s7], $0x80  }
0xe0: {  	[sflag:s7] =	ssyncset.done $0x0  }
0xe1: {  	[sflag:s7] =	ssyncadd.s32 $0xFFFFFF80  }
0xe2: {  	_ =	swait.ge [sflag:s8], $0x80  }
0xe3: {  	[sflag:s8] =	ssyncset.done $0x0  }
0xe4: {  	[sflag:s8] =	ssyncadd.s32 $0xFFFFFF80  }
0xe5: {  	_ =	swait.ge [sflag:s19], $0x4000  }
0xe6: {  	s23 =	sadd.s32 $0x40, s23;
	[sflag:s19] =	ssyncset.done $0x0  }
0xe7: {  	p1 =	sne.s32 s23, $0x4C0;
	s3 =	rddreg [dreg:$0x7];
	[sflag:s19] =	ssyncadd.s32 $0xFFFFC000  }
0xe8: {  	[tilespmem:s9], [sflag:$0xA] =	stream.indirect.gather [hbm4b:s1+s26], $0x80, s26, s26, $0xb8;
	[tilespmem:$0x1C580] =	vst v63  }
0xe9: {  	s22 =	simm.s32 @!p2 $0x180;
	s20 =	rddreg [dreg:$0x6];
	s3 =	sadd.s32 @!p2 s24, s3  }
0xea: {  	[tilespmem:s22], [sflag:$0x4] =	stream.linear.gather @!p2 [hbm4b:s3+s2], $0x80, $0x38;
	[tilespmem:$0x1C580] =	vst v63  }
.Ltmp0:
0xeb: {  	s3 =	sadd.s32 @!p2 s24, s20;
	s20 =	simm.s32 @!p2 $0x380;
	(pc) =	sbr.rel @p1 .LBB2_2-.Ltmp0, $4  }
0xec: {  	[tilespmem:s20], [sflag:$0x8] =	stream.linear.gather @!p2 [hbm4b:s3+s2], $0x80, $0x38;
	[tilespmem:$0x1C580] =	vst v63  }
0xed: {  	s21 =	sadd.s32 $0x200, s21;
	_ =	swait.ge [sflag:s12], $0x4000  }
0xee: {  	s11 =	simm.s32 $0x280;
	s20 =	simm.s32 $0x100;
	[sflag:s12] =	ssyncset.done $0x0  }
0xef: {  	s3 =	smov.u32 s0;
	s0 =	smov.u32 s5;
	[sflag:s12] =	ssyncadd.s32 $0xFFFFC000  }
0xf0: {  	[spmem:s4] =	stream.indirect.scatter.add.f32 [tilespmem:s31], [sflag:$0xB], $0x80, s28, s26, $0xb8;
	[tilespmem:$0x1C580] =	vst v63  }
0xf1: {  	s2 =	rddreg [dreg:$0x19];
	s5 =	simm.s32 $0x8400  }
0xf2: {  	[tilespmem:s5], [sflag:$0xD] =	stream.linear.gather [hbm4b:s2+s6], $0x10, $0x38;
	[tilespmem:$0x1C580] =	vst v63  }
0xf3: {  	s22 =	rddreg [dreg:$0x1a];
	s10 =	simm.s32 $0x8480  }
0xf4: {  	[tilespmem:s10], [sflag:$0xE] =	stream.linear.gather [hbm4b:s22+s6], $0x10, $0x38;
	[tilespmem:$0x1C580] =	vst v63  }
0xf5: {  	_ =	swait.ge [sflag:s16], $0x4000  }
0xf6: {  	[sflag:s16] =	ssyncset.done $0x0  }
0xf7: {  	s23 =	simm.s32 $0xD;
	[sflag:s16] =	ssyncadd.s32 $0xFFFFC000  }
0xf8: {  	[spmem:s4] =	stream.indirect.scatter.add.f32 [tilespmem:s9], [sflag:$0xC], $0x80, s11, s26, $0xb8;
	[tilespmem:$0x1C580] =	vst v63  }
0xf9: {  	_ =	swait.ge [sflag:s23], $0x10  }
0xfa: {  	[sflag:s23] =	ssyncset.done $0x0  }
0xfb: {  	s24 =	simm.s32 $0xE;
	[sflag:s23] =	ssyncadd.s32 $0xFFFFFFF0  }
0xfc: {  	_ =	swait.ge [sflag:s24], $0x10  }
0xfd: {  	[sflag:s24] =	ssyncset.done $0x0  }
0xfe: {  	s21 =	simm.s32 $0x10;
	s22 =	simm.s32 $0x8500;
	[sflag:s24] =	ssyncadd.s32 $0xFFFFFFF0  }
0xff: {  	[tilespmem:s22], [sflag:$0xD] =	stream.indirect.gather [hbm4b:s1+s21], $0x80, s5, s21, $0xb8;
	[tilespmem:$0x1C580] =	vst v63  }
0x100: {  	_ =	swait.ge [sflag:s23], $0x800  }
0x101: {  	[sflag:s23] =	ssyncset.done $0x0  }
0x102: {  	[sflag:s23] =	ssyncadd.s32 $0xFFFFF800  }
0x103: {  	[spmem:s4] =	stream.indirect.scatter.add.f32 [tilespmem:s22], [sflag:$0xE], $0x80, s10, s21, $0xb8;
	[tilespmem:$0x1C580] =	vst v63  }
0x104: {  	_ =	swait.ge [sflag:s15], $0x4000  }
0x105: {  	[sflag:s15] =	ssyncset.done $0x0  }
0x106: {  	[sflag:s15] =	ssyncadd.s32 $0xFFFFC000  }
0x107: {  	_ =	swait.ge [sflag:s19], $0x4000  }
0x108: {  	[sflag:s19] =	ssyncset.done $0x0  }
0x109: {  	[sflag:s19] =	ssyncadd.s32 $0xFFFFC000  }
0x10a: {  	_ =	swait.ge [sflag:s24], $0x800  }
0x10b: {  	[sflag:s24] =	ssyncset.done $0x0  }
0x10c: {  	[sflag:s24] =	ssyncadd.s32 $0xFFFFF800  }
0x10d: {  	[bflag:$0x0] =	sbarrier.arrive $0xFFFF  }
0x10e: {  	s10 =	sld [smem:$0x7FC];
	_ =	sdelay $0x1  }
0x10f: {  	s2 =	simm.s32 @p0 $0x1FCF;
	s5 =	rddreg [dreg:$0x1b]  }
0x110: {  	[hbm:s5], [sflag:s2] =	dma.local @p0 [spmem:s10], $0x2080  }
0x111: {  	s2 =	simm.s32 @p0 $0xF  }
0x112: {  	_ =	swait.ge @p0 [sflag:s2], $0x2080  }
0x113: {  	[sflag:s2] =	ssyncset.done @p0 $0x0;
	s10 =	sld [smem:$0x7FD]  }
0x114: {  	[sflag:s2] =	ssyncadd.s32 @p0 $0xFFFFDF80;
	s2 =	rddreg [dreg:$0x1f]  }
0x115: {  	s5 =	rddreg [dreg:$0x16];
	s2 =	sor.u32 @!p0 $0x1C0F, s2  }
0x116: {  	[hbm:s5], [sflag:s2] =	dma.local @!p0 [spmem:s10], $0x2780  }
0x117: {  	s2 =	simm.s32 @!p0 $0xF  }
0x118: {  	_ =	swait.ge @!p0 [sflag:s2], $0x2780  }
0x119: {  	s23 =	rddreg [dreg:$0x1e]  }
0x11a: {  	s24 =	rddreg [dreg:$0x1c];
	s21 =	sadd.s32 $0x1, s23  }
0x11b: {  	p1 =	sne.s32 s21, s24  }
.Ltmp1:
0x11c: {  	_ = 	snop;
	(pc) =	sbr.rel @p1 .LBB2_1-.Ltmp1, $3  }
0x11d: {  	_ =	sdelay $0x1  }
0x11e: {  	s11 =	simm.s32 $0x380;
	[sflag:s2] =	ssyncset.done @!p0 $0x0  }
0x11f: {  	s5 =	simm.s32 $0x300;
	s10 =	simm.s32 $0x180;
	[sflag:s2] =	ssyncadd.s32 @!p0 $0xFFFFD880  }
0x120: {  	_ =	sfence.sel $0x180000  }
0x121: {  	[bflag:$0x0] =	sbarrier.arrive $0xFFFF  }
0x122: {  	_ =	strace $0x90000047  }
0x123: {  	s0 =	stileid.u32;
	[bflag:$0x2] =	sbarrier.arrive $0xFFFF  }
0x124: {  	p0 =	sne.s32 s0, $0x0;
	s0 =	rddreg [dreg:$0x5]  }
0x125: {  	s0 =	sadd.s32 @!p0 $0x100000, s0  }
0x126: {  	[sflag:s0] =	ssyncadd.tile.s32 @!p0 $0x1;
	_ =	shalt  }
.Lfunc_end2:
_tile_overlayer_lowered:
.L_overlay_start_2:
0x127: {  	(tag) =	ssettag $0x2  }
0x128: {  	s0 =	rddreg [dreg:$0x0];
	s2 =	stileid.u32  }
0x129: {  	s1 =	rddreg [dreg:$0x1];
	p0 =	sne.s32 s2, $0x0  }
0x12a: {  	s3 =	rddreg [dreg:$0x2];
	[bflag:$0x3] =	sbarrier.arrive $0xFFFF;
	s2 =	simm.s32 @!p0 $0x1C0F  }
0x12b: {  	[timem:s3], [sflag:s2] =	dma.local @!p0 [hbm:s0], s1  }
0x12c: {  	s0 =	simm.s32 @!p0 $0xF  }
0x12d: {  	_ =	swait.ge @!p0 [sflag:s0], s1  }
0x12e: {  	s1 =	ssub.s32 @!p0 $0x0, s1;
	[sflag:s0] =	ssyncset.done @!p0 $0x0  }
0x12f: {  	[sflag:s0] =	ssyncadd.s32 @!p0 s1  }
0x130: {  	[bflag:$0x3] =	sbarrier.arrive $0xFFFF  }
0x131: {  	_ =	shalt  }

// kernel: kernel.9.cloned.1.call-start
scs
__scs_entry_jumppad:
0x0: {  	(pc) =	sbr.rel $0x88, $3  }
0x1: {  	(tag) =	ssettag $0x0;
	lr =	simm.s32 $0x1  }
0x2: {  	[smem:$0x3F96] =	sst lr;
	_ =	strace $0xD0000000  }
0x3: {  	_ = 	snop  }
0x4: {  	_ = 	snop  }
0x5: {  	_ = 	snop  }
0x6: {  	_ = 	snop  }
0x7: {  	_ = 	snop  }
__scs_overlays_trampoline_lowered:
0x8: {  	[smem:$0x3FA5] =	sst s0  }
0x9: {  	[smem:$0x3FA6] =	sst s1  }
0xa: {  	[smem:$0x3FA7] =	sst s2  }
0xb: {  	[smem:$0x3FA8] =	sst s3  }
0xc: {  	[smem:$0x3FA9] =	sst s4  }
0xd: {  	[smem:$0x3FAA] =	sst s5  }
0xe: {  	[smem:$0x3FAB] =	sst s6  }
0xf: {  	[smem:$0x3FAC] =	sst s7  }
0x10: {  	[smem:$0x3FAD] =	sst s8  }
0x11: {  	[smem:$0x3FAE] =	sst s9;
	s0 =	simm.s32 @!p0 $0x0  }
0x12: {  	s1 =	sld [smem:$0x3F94];
	s0 =	simm.s32 @p0 $0x1  }
0x13: {  	[smem:$0x3FAF] =	sst s0;
	s0 =	simm.s32 @!p1 $0x0  }
0x14: {  	s2 =	sld [smem:$0x3F93];
	s0 =	simm.s32 @p1 $0x1  }
0x15: {  	[smem:$0x3FB0] =	sst s0;
	s0 =	simm.s32 @!p2 $0x0  }
0x16: {  	s3 =	sld [smem:$0x3FDB];
	s0 =	simm.s32 @p2 $0x1  }
0x17: {  	s4 =	simm.s32 $0x1BF5;
	[smem:$0x3FB2] =	sst s0  }
0x18: {  	s0 =	sld [smem:$0x3F95];
	_ =	swait.ge [sflag:s4], $0x0  }
0x19: {  	s7 =	sld [smem:$0x3F96]  }
0x1a: {  	s8 =	sadd.s32 $0xFFFFE003, lr  }
0x1b: {  	s9 =	sadd.s32 $0xFFFFFEF7, lr;
	s5 =	simm.s32 $0xFFFFFFFF;
	p2 =	slt.u32 s8, $0xFFFFF086  }
0x1c: {  	p1 =	slt.u32 s9, $0xF7A;
	s5 =	simm.s32 @!p2 $0x0  }
0x1d: {  	s5 =	simm.s32 @p1 $0x1;
	p0 =	seq.s32 s7, s2  }
0x1e: {  	s7 =	smul.u32 @!p0 $0xF7A, s2;
	p2 =	seq.s32 @!p0 s5, $0x0  }
0x1f: {  	s9 =	smul.u32 $0xF7A, s1;
	s8 =	simm.s32 @!p0 $0x1BF5;
	p2 =	por !p2, p0  }
0x20: {  	[sflag:s8] =	ssyncset.s32 @!p0 $0xFFFFF086;
	s6 =	sadd.s32 @!p0 s3, s7;
	s7 =	simm.s32 @!p0 $0x108  }
0x21: {  	s3 =	sadd.s32 s3, s9;
	s6 =	sadd.s32 @!p0 $0x88, s6;
	s7 =	simm.s32 @p2 $0x1082  }
0x22: {  	[simem:s7], [sflag:s8] =	dma.local @!p0 [hbm:s6], $0xF7A  }
0x23: {  	s9 =	sor.u32 $0xD0000000, s2;
	s6 =	simm.s32 $0x108;
	_ =	swait.ge @!p0 [sflag:s8], $0x0  }
0x24: {  	s3 =	sadd.s32 $0x88, s3;
	s6 =	simm.s32 @!p1 $0x1082;
	[sflag:s4] =	ssyncset.s32 $0xFFFFF086  }
0x25: {  	[simem:s6], [sflag:s4] =	dma.local [hbm:s3], $0xF7A  }
0x26: {  	[smem:$0x3F96] =	sst s1;
	(tag) =	ssettag s2;
	_ =	strace s9  }
0x27: {  	s1 =	sld [smem:$0x3FA6]  }
0x28: {  	s2 =	sld [smem:$0x3FA7]  }
0x29: {  	s4 =	sld [smem:$0x3FA9]  }
0x2a: {  	p0 =	seq.s32 s5, $0x0;
	s5 =	sld [smem:$0x3FAA]  }
0x2b: {  	s6 =	sld [smem:$0x3FAB]  }
0x2c: {  	s7 =	sld [smem:$0x3FAC]  }
0x2d: {  	s3 =	simm.s32 $0x108;
	s8 =	sld [smem:$0x3FAD]  }
0x2e: {  	s3 =	simm.s32 @!p0 $0x1082;
	s9 =	sld [smem:$0x3FAE]  }
0x2f: {  	lr =	sadd.s32 s0, s3;
	s0 =	sld [smem:$0x3FA5]  }
0x30: {  	s3 =	sld [smem:$0x3FA8]  }
0x31: {  	[smem:$0x3FB1] =	sst s10  }
0x32: {  	s10 =	sld [smem:$0x3FAF];
	_ =	sdelay $0x3  }
0x33: {  	p0 =	seq.s32 s10, $0x1;
	s10 =	sld [smem:$0x3FB1];
	_ =	sdelay $0x3  }
0x34: {  	[smem:$0x3FB1] =	sst s10  }
0x35: {  	s10 =	sld [smem:$0x3FB0];
	_ =	sdelay $0x3  }
0x36: {  	p1 =	seq.s32 s10, $0x1;
	s10 =	sld [smem:$0x3FB1];
	_ =	sdelay $0x3  }
0x37: {  	[smem:$0x3FB1] =	sst s10  }
0x38: {  	s10 =	sld [smem:$0x3FB2]  }
0x39: {  	_ = 	snop;
	(pc) =	sbr.ind lr, $3  }
0x3a: {  	_ = 	snop  }
0x3b: {  	_ = 	snop  }
0x3c: {  	p2 =	seq.s32 s10, $0x1;
	s10 =	sld [smem:$0x3FB1]  }
0x3d: {  	_ =	shalt  }
0x3e: {  	_ =	shalt  }
0x3f: {  	_ =	shalt  }
0x40: {  	_ =	shalt  }
0x41: {  	_ =	shalt  }
0x42: {  	_ =	shalt  }
0x43: {  	_ =	shalt  }
0x44: {  	_ =	shalt  }
0x45: {  	_ =	shalt  }
0x46: {  	_ =	shalt  }
0x47: {  	_ =	shalt  }
0x48: {  	_ =	shalt  }
0x49: {  	_ =	shalt  }
0x4a: {  	_ =	shalt  }
0x4b: {  	_ =	shalt  }
0x4c: {  	_ =	shalt  }
0x4d: {  	_ =	shalt  }
0x4e: {  	_ =	shalt  }
0x4f: {  	_ =	shalt  }
0x50: {  	_ =	shalt  }
0x51: {  	_ =	shalt  }
0x52: {  	_ =	shalt  }
0x53: {  	_ =	shalt  }
0x54: {  	_ =	shalt  }
0x55: {  	_ =	shalt  }
0x56: {  	_ =	shalt  }
0x57: {  	_ =	shalt  }
0x58: {  	_ =	shalt  }
0x59: {  	_ =	shalt  }
0x5a: {  	_ =	shalt  }
0x5b: {  	_ =	shalt  }
0x5c: {  	_ =	shalt  }
0x5d: {  	_ =	shalt  }
0x5e: {  	_ =	shalt  }
0x5f: {  	_ =	shalt  }
0x60: {  	_ =	shalt  }
0x61: {  	_ =	shalt  }
0x62: {  	_ =	shalt  }
0x63: {  	_ =	shalt  }
0x64: {  	_ =	shalt  }
0x65: {  	_ =	shalt  }
0x66: {  	_ =	shalt  }
0x67: {  	_ =	shalt  }
0x68: {  	_ =	shalt  }
0x69: {  	_ =	shalt  }
0x6a: {  	_ =	shalt  }
0x6b: {  	_ =	shalt  }
0x6c: {  	_ =	shalt  }
0x6d: {  	_ =	shalt  }
0x6e: {  	_ =	shalt  }
0x6f: {  	_ =	shalt  }
0x70: {  	_ =	shalt  }
0x71: {  	_ =	shalt  }
0x72: {  	_ =	shalt  }
0x73: {  	_ =	shalt  }
0x74: {  	_ =	shalt  }
0x75: {  	_ =	shalt  }
0x76: {  	_ =	shalt  }
0x77: {  	_ =	shalt  }
0x78: {  	_ =	shalt  }
0x79: {  	_ =	shalt  }
0x7a: {  	_ =	shalt  }
0x7b: {  	_ =	shalt  }
0x7c: {  	_ =	shalt  }
0x7d: {  	_ =	shalt  }
0x7e: {  	_ =	shalt  }
0x7f: {  	_ =	shalt  }
0x80: {  	_ =	shalt  }
0x81: {  	_ =	shalt  }
0x82: {  	_ =	shalt  }
0x83: {  	_ =	shalt  }
0x84: {  	_ =	shalt  }
0x85: {  	_ =	shalt  }
0x86: {  	_ =	shalt  }
0x87: {  	_ =	shalt  }
.Lfunc_end0:
.L_simem_size_0:
called_computation.1_lowered:
.L_overlay_start_0:
0x88: {  	s2 =	sld [smem:$0x3FD9]  }
0x89: {  	s3 =	sld [smem:$0x3FFE];
	_ =	sdelay $0x1  }
0x8a: {  	s1 =	srdreg.scid  }
0x8b: {  	s0 =	sand.u32 $0x1, s1  }
0x8c: {  	s17 =	sshll.u32 s0, $0xA;
	s2 =	sadd.s32 s3, s2  }
0x8d: {  	s2 =	sadd.s32 s2, s17  }
0x8e: {  	[smem:$0x3FBD] =	sst s2  }
0x8f: {  	_ = 	snop  }
0x90: {  	s2 =	sld [smem:$0x3FC8]  }
0x91: {  	s18 =	sld [smem:$0x3FC7];
	(tm) =	ssettm $0x1  }
0x92: {  	s4 =	sld [smem:$0x3FFB];
	_ =	sdelay $0x3  }
0x93: {  	_ =	strace s4  }
0x94: {  	s4 =	sld [smem:$0x3FFC];
	_ =	sdelay $0x3  }
0x95: {  	_ =	strace s4  }
0x96: {  	s4 =	sld [smem:$0x3FFD];
	_ =	sdelay $0x3  }
0x97: {  	_ =	strace s4  }
0x98: {  	_ =	strace $0x8FFFFFFF  }
0x99: {  	s19 =	sld [smem:$0x3FDB];
	_ =	sdelay $0x1  }
0x9a: {  	s5 =	simm.s32 $_scs_section_size  }
0x9b: {  	s6 =	simm.s32 $_size__tile_overlayer_lowered;
	s7 =	simm.s32 $_tile_overlayer_lowered  }
0x9c: {  	s22 =	simm.s32 $0x1BFF;
	s21 =	sshll.u32 s7, $0x1;
	s4 =	sadd.s32 s5, s19  }
0x9d: {  	s8 =	simm.s32 $0x0;
	s20 =	sshll.u32 s6, $0x1;
	s6 =	sadd.s32 s21, s4  }
0x9e: {  	[timem:s8], [sflag:s22] =	dma.local [hbm:s6], s20  }
0x9f: {  	_ =	swait.ge [sflag:s22], s20  }
0xa0: {  	s5 =	ssub.s32 $0x0, s20;
	[sflag:s22] =	ssyncset.done $0x0  }
0xa1: {  	[sflag:s22] =	ssyncadd.s32 s5;
	_ =	sdelay $0x1  }
0xa2: {  	s23 =	simm.s32 $0x1B8B  }
0xa3: {  	_ =	swait.ge [sflag:s23], $0x1  }
0xa4: {  	[sflag:s23] =	ssyncset.done $0x0  }
0xa5: {  	s25 =	simm.s32 $0x1B8E;
	s24 =	sld [smem:$0x3FFE];
	[sflag:s23] =	ssyncadd.s32 $0xFFFFFFFF  }
0xa6: {  	s26 =	simm.s32 $execute0_lowered;
	[smem:$0x3FD2] =	sst s25  }
0xa7: {  	s6 =	sshll.u32 s26, $0x1;
	_ =	strace $0x80000049;
	[dreg:$0x1] =	wrdreg $0xFFFFFFFF  }
0xa8: {  	s28 =	simm.s32 $_size_execute0_lowered;
	s4 =	sadd.s32 s4, s6;
	[dreg:$0x0] =	wrdreg $0x0  }
0xa9: {  	s6 =	sshll.u32 s28, $0x1;
	[dreg:$0x2] =	wrdreg s4  }
0xaa: {  	[dreg:$0x3] =	wrdreg s6  }
0xab: {  	[dreg:$0x4] =	wrdreg $0xC0  }
0xac: {  	_ =	task [dreg:s8], $0x5FFFF  }
0xad: {  	[dreg:$0x1] =	wrdreg $0xFFFFFFFF  }
0xae: {  	[dreg:$0x0] =	wrdreg $0x60  }
0xaf: {  	[dreg:$0x2] =	wrdreg s24  }
0xb0: {  	[dreg:$0x3] =	wrdreg s2  }
0xb1: {  	[dreg:$0x4] =	wrdreg s18  }
0xb2: {  	[dreg:$0x5] =	wrdreg $0x8D000  }
0xb3: {  	[dreg:$0x6] =	wrdreg $0x9  }
0xb4: {  	_ =	task.clear_ibuf [dreg:s8], $0x7FFFF;
	_ =	strace $0x90000049  }
0xb5: {  	s29 =	simm.s32 $0x9;
	_ =	strace $0x8000004B  }
0xb6: {  	_ =	swait.ge [sflag:s29], $0x1  }
0xb7: {  	[sflag:s29] =	ssyncadd.s32 $0xFFFFFFFF  }
0xb8: {  	_ =	strace $0x9000004B  }
0xb9: {  	_ =	sfence  }
0xba: {  	s30 =	sld [smem:$0x0];
	_ =	sdelay $0x2  }
0xbb: {  	s31 =	sshll.u32 s1, $0xD;
	s1 =	sshrl.u32 s1, $0x2  }
0xbc: {  	s3 =	sand.u32 $0x4000, s31;
	s1 =	sadd.s32 s1, s30  }
0xbd: {  	s0 =	sor.u32 s3, s0;
	s1 =	sshll.u32 s1, $0x11  }
0xbe: {  	s0 =	sor.u32 s1, s0  }
0xbf: {  	s0 =	sadd.s32 $0x8F2B, s0  }
0xc0: {  	[sflag:s0] =	ssyncadd.remote.s32 $0x1  }
0xc1: {  	_ =	sfence.sel $0xFFFF  }
0xc2: {  	[dreg:$0x0] =	wrdreg $0xFFFFFFFF;
	(pc) =	sbr.abs _section_cstart, $3  }
0xc3: {  	[dreg:$0x1] =	wrdreg $0xFFFFFFFF  }
0xc4: {  	_ =	task.clear_ibuf [dreg:s8], $0x2FFFF;
	_ =	strace $0x9FFFFFFF  }
0xc5: {  	(tm) =	ssettm $0x7FFFFFFF  }
tec
execute0_lowered:
.L_overlay_start_1:
0x0: {  	(tag) =	ssettag $0x1  }
0x1: {  	s0 =	rddreg [dreg:$0x0]  }
0x2: {  	s2 =	rddreg [dreg:$0x1]  }
0x3: {  	s1 =	rddreg [dreg:$0x2]  }
0x4: {  	s3 =	rddreg [dreg:$0x3];
	s5 =	simm.s32 $0x0  }
0x5: {  	s4 =	srdreg.scid;
	s14 =	stileid.u32;
	s29 =	simm.s32 $0x1  }
0x6: {  	s30 =	simm.s32 $0x5;
	s31 =	simm.s32 $0x400;
	s28 =	simm.s32 $0x200  }
0x7: {  	[smem:$0x7FF] =	sst s5;
	s4 =	sand.u32 $0x1, s4;
	s8 =	smul.u32 $0x4F000, s14  }
0x8: {  	s6 =	sadd.s32 $0x1800, s0;
	s9 =	sadd.s32 $0x28A00, s0;
	s12 =	smul.u32 $0x2780, s14  }
0x9: {  	s16 =	sadd.s32 $0x128400, s3;
	s0 =	sadd.s32 $0x26880, s0;
	s18 =	smul.u32 $0x13C00, s14  }
0xa: {  	p0 =	seq.s32 s14, $0xF;
	_ =	strace $0x8000004A;
	s7 =	ssub.s32 $0x2, s4  }
0xb: {  	s11 =	sshll.u32 s4, $0x4;
	[dreg:$0xd] =	wrdreg s16;
	s17 =	smul.u32 $0x138800, s4  }
0xc: {  	[dreg:$0xe] =	wrdreg s0;
	s4 =	smul.u32 $0x27100, s4;
	s10 =	sshrl.u32 s7, $0x1  }
0xd: {  	s11 =	sor.u32 s14, s11;
	s8 =	sshrl.u32 s8, $0x2;
	s15 =	sadd.s32 s6, s12  }
0xe: {  	s7 =	ssub.s32 s7, s10;
	s8 =	sadd.s32 s8, s3;
	[dreg:$0xc] =	wrdreg s15  }
0xf: {  	s13 =	smul.u32 $0x2710, s11;
	s10 =	sadd.s32 s18, s17;
	[dreg:$0xb] =	wrdreg s8  }
0x10: {  	s10 =	sshrl.u32 s10, $0x3;
	s8 =	sshrl.u32 s17, $0x3;
	s7 =	smax.u32 s7, $0x1  }
0x11: {  	s0 =	sshrl.u32 s13, $0x3;
	s13 =	smul.u32 $0x2710, s14;
	s10 =	sadd.s32 s9, s10  }
0x12: {  	s8 =	sadd.s32 s9, s8;
	[dreg:$0x1b] =	wrdreg s7;
	s7 =	simm.s32 $0x2  }
0x13: {  	s9 =	simm.s32 $0x4400;
	s14 =	simm.s32 $0x7;
	s19 =	sadd.s32 s2, s0  }
0x14: {  	s20 =	sadd.s32 s1, s0;
	s21 =	sadd.s32 $0x10, s0;
	[dreg:$0x15] =	wrdreg s10  }
0x15: {  	s22 =	sadd.s32 $0x20, s0;
	s25 =	sadd.s32 $0x30, s0;
	[dreg:$0xf] =	wrdreg s19  }
0x16: {  	s0 =	sadd.s32 $0x4E0, s0;
	s8 =	sadd.s32 $0x25080, s8;
	[dreg:$0x10] =	wrdreg s20  }
0x17: {  	s10 =	simm.s32 $0x180;
	s15 =	sadd.s32 s2, s21;
	[dreg:$0x1a] =	wrdreg s8  }
0x18: {  	s11 =	sadd.s32 s1, s21;
	s23 =	sadd.s32 s2, s22;
	[dreg:$0x11] =	wrdreg s15  }
0x19: {  	s24 =	sadd.s32 s1, s22;
	s4 =	sadd.s32 s13, s4;
	[dreg:$0x12] =	wrdreg s11  }
0x1a: {  	s22 =	sadd.s32 s2, s25;
	s8 =	simm.s32 $0x6;
	[dreg:$0x13] =	wrdreg s23  }
0x1b: {  	[dreg:$0x14] =	wrdreg s24;
	s26 =	sadd.s32 $0x380, s4;
	s15 =	sadd.s32 $0x300, s4  }
0x1c: {  	s19 =	sadd.s32 $0x280, s4;
	[dreg:$0x16] =	wrdreg s22;
	s11 =	sadd.s32 s1, s25  }
0x1d: {  	s24 =	sadd.s32 s2, s0;
	s0 =	sadd.s32 s1, s0;
	[dreg:$0x17] =	wrdreg s11  }
0x1e: {  	s12 =	sshrl.u32 s26, $0x3;
	s17 =	sshrl.u32 s15, $0x3;
	[dreg:$0x18] =	wrdreg s24  }
0x1f: {  	s21 =	sshrl.u32 s19, $0x3;
	[dreg:$0x19] =	wrdreg s0;
	s0 =	smov.u32 s1  }
0x20: {  	s26 =	sadd.s32 $0x200, s4;
	s4 =	simm.s32 $0x300;
	s11 =	simm.s32 $0x380  }
0x21: {  	s15 =	simm.s32 $0xB;
	s13 =	sadd.s32 s12, s1;
	[dreg:$0x1c] =	wrdreg s26  }
0x22: {  	s19 =	simm.s32 $0xC;
	s16 =	sadd.s32 s12, s2;
	[dreg:$0x5] =	wrdreg s13  }
0x23: {  	s18 =	sadd.s32 s17, s1;
	s20 =	sadd.s32 s17, s2;
	[dreg:$0x6] =	wrdreg s16  }
0x24: {  	s23 =	sadd.s32 s21, s1;
	s25 =	sadd.s32 s21, s2;
	[dreg:$0x7] =	wrdreg s18  }
0x25: {  	s26 =	simm.s32 $0x80;
	s12 =	simm.s32 $0x9;
	[dreg:$0x8] =	wrdreg s20  }
0x26: {  	s17 =	simm.s32 $0x4;
	s21 =	simm.s32 $0x0;
	[dreg:$0x9] =	wrdreg s23  }
0x27: {  	[dreg:$0xa] =	wrdreg s25;
	s20 =	simm.s32 $0x100;
	s13 =	simm.s32 $0x3  }
0x28: {  	s16 =	simm.s32 $0xA;
	s18 =	simm.s32 $0x8;
	s25 =	simm.s32 $0x380  }
.LBB2_1:
0x29: {  	[dreg:$0x1d] =	wrdreg s21  }
0x2a: {  	s1 =	rddreg [dreg:$0xd]  }
0x2b: {  	s22 =	sshrl.u32 @p0 s1, $0x3;
	s1 =	rddreg [dreg:$0xe]  }
0x2c: {  	s21 =	simm.s32 @p0 $0x1FCD;
	[smem:$0x7FD] =	sst s22  }
0x2d: {  	[spmem:s22], [sflag:s21] =	dma.local @p0 [hbm:s1], $0x2080  }
0x2e: {  	s1 =	stileid.u32  }
0x2f: {  	s1 =	sshll.u32 @!p0 s1, $0x6  }
0x30: {  	[dreg:$0x1e] =	wrdreg s1  }
0x31: {  	s21 =	sor.u32 @!p0 $0x1C0D, s1;
	s1 =	rddreg [dreg:$0xb]  }
0x32: {  	s22 =	sshrl.u32 @!p0 s1, $0x3;
	s1 =	rddreg [dreg:$0xc]  }
0x33: {  	[dreg:$0x1f] =	wrdreg s22  }
0x34: {  	[spmem:s22], [sflag:s21] =	dma.local @!p0 [hbm:s1], $0x2780  }
0x35: {  	s1 =	rddreg [dreg:$0xf]  }
0x36: {  	[tilespmem:s5], [sflag:$0x1] =	stream.linear.gather [hbm4b:s1+s5], $0x80, $0x38;
	[tilespmem:$0x1C580] =	vst v63  }
0x37: {  	s22 =	simm.s32 $0x200;
	s23 =	rddreg [dreg:$0x10]  }
0x38: {  	[tilespmem:s22], [sflag:$0x5] =	stream.linear.gather [hbm4b:s23+s5], $0x80, $0x38;
	[tilespmem:$0x1C580] =	vst v63  }
0x39: {  	s24 =	rddreg [dreg:$0x11]  }
0x3a: {  	[tilespmem:s26], [sflag:$0x2] =	stream.linear.gather [hbm4b:s24+s5], $0x80, $0x38;
	[tilespmem:$0x1C580] =	vst v63  }
0x3b: {  	s21 =	rddreg [dreg:$0x12];
	s24 =	simm.s32 $0x280  }
0x3c: {  	[tilespmem:s24], [sflag:$0x6] =	stream.linear.gather [hbm4b:s21+s5], $0x80, $0x38;
	[tilespmem:$0x1C580] =	vst v63  }
0x3d: {  	_ =	swait.ge [sflag:s29], $0x80  }
0x3e: {  	[sflag:s29] =	ssyncset.done $0x0  }
0x3f: {  	[sflag:s29] =	ssyncadd.s32 $0xFFFFFF80  }
0x40: {  	_ =	swait.ge [sflag:s30], $0x80  }
0x41: {  	[sflag:s30] =	ssyncset.done $0x0  }
0x42: {  	[sflag:s30] =	ssyncadd.s32 $0xFFFFFF80  }
0x43: {  	[tilespmem:s31], [sflag:$0x9] =	stream.indirect.gather [hbm4b:s6+s26], $0x80, s5, s26, $0xb8;
	[tilespmem:$0x1C580] =	vst v63  }
0x44: {  	s23 =	rddreg [dreg:$0x13]  }
0x45: {  	[tilespmem:s20], [sflag:$0x3] =	stream.linear.gather [hbm4b:s23+s5], $0x80, $0x38;
	[tilespmem:$0x1C580] =	vst v63  }
0x46: {  	s21 =	rddreg [dreg:$0x14]  }
0x47: {  	[tilespmem:s4], [sflag:$0x7] =	stream.linear.gather [hbm4b:s21+s5], $0x80, $0x38;
	[tilespmem:$0x1C580] =	vst v63  }
0x48: {  	_ =	swait.ge [sflag:s7], $0x80  }
0x49: {  	[sflag:s7] =	ssyncset.done $0x0  }
0x4a: {  	[sflag:s7] =	ssyncadd.s32 $0xFFFFFF80  }
0x4b: {  	_ =	swait.ge [sflag:s8], $0x80  }
0x4c: {  	[sflag:s8] =	ssyncset.done $0x0  }
0x4d: {  	[sflag:s8] =	ssyncadd.s32 $0xFFFFFF80  }
0x4e: {  	[tilespmem:s9], [sflag:$0xA] =	stream.indirect.gather [hbm4b:s6+s26], $0x80, s26, s26, $0xb8;
	[tilespmem:$0x1C580] =	vst v63  }
0x4f: {  	s23 =	rddreg [dreg:$0x16]  }
0x50: {  	[tilespmem:s10], [sflag:$0x4] =	stream.linear.gather [hbm4b:s23+s5], $0x80, $0x38;
	[tilespmem:$0x1C580] =	vst v63  }
0x51: {  	s21 =	rddreg [dreg:$0x17]  }
0x52: {  	[tilespmem:s11], [sflag:$0x8] =	stream.linear.gather [hbm4b:s21+s5], $0x80, $0x38;
	[tilespmem:$0x1C580] =	vst v63  }
0x53: {  	s21 =	simm.s32 @p0 $0xD  }
0x54: {  	_ =	swait.ge @p0 [sflag:s21], $0x2080  }
0x55: {  	[sflag:s21] =	ssyncset.done @p0 $0x0  }
0x56: {  	[sflag:s21] =	ssyncadd.s32 @p0 $0xFFFFDF80;
	s21 =	simm.s32 @!p0 $0xD  }
0x57: {  	_ =	swait.ge @!p0 [sflag:s21], $0x2780  }
0x58: {  	[sflag:s21] =	ssyncset.done @!p0 $0x0  }
0x59: {  	[sflag:s21] =	ssyncadd.s32 @!p0 $0xFFFFD880  }
0x5a: {  	[bflag:$0x0] =	sbarrier.arrive $0xFFFF  }
0x5b: {  	_ =	swait.ge [sflag:s12], $0x4000  }
0x5c: {  	[sflag:s12] =	ssyncset.done $0x0  }
0x5d: {  	[sflag:s12] =	ssyncadd.s32 $0xFFFFC000  }
0x5e: {  	[spmem:s3] =	stream.indirect.scatter.add.f32 [tilespmem:s31], [sflag:$0xB], $0x80, s22, s26, $0xb8;
	[tilespmem:$0x1C580] =	vst v63  }
0x5f: {  	_ =	swait.ge [sflag:s13], $0x80  }
0x60: {  	[sflag:s13] =	ssyncset.done $0x0  }
0x61: {  	[sflag:s13] =	ssyncadd.s32 $0xFFFFFF80  }
0x62: {  	_ =	swait.ge [sflag:s14], $0x80  }
0x63: {  	[sflag:s14] =	ssyncset.done $0x0  }
0x64: {  	[sflag:s14] =	ssyncadd.s32 $0xFFFFFF80  }
0x65: {  	_ =	swait.ge [sflag:s15], $0x4000  }
0x66: {  	[sflag:s15] =	ssyncset.done $0x0;
	s1 =	rddreg [dreg:$0x1c]  }
0x67: {  	[sflag:s15] =	ssyncadd.s32 $0xFFFFC000;
	s21 =	sshrl.u32 s1, $0x3  }
0x68: {  	[tilespmem:s31], [sflag:$0x9] =	stream.indirect.gather [hbm4b:s6+s26], $0x80, s20, s26, $0xb8;
	[tilespmem:$0x1C580] =	vst v63  }
0x69: {  	s23 =	sadd.s32 s2, s21  }
0x6a: {  	[tilespmem:s5], [sflag:$0x1] =	stream.linear.gather [hbm4b:s23+s5], $0x80, $0x38;
	[tilespmem:$0x1C580] =	vst v63  }
0x6b: {  	s21 =	sadd.s32 s0, s21  }
0x6c: {  	[tilespmem:s22], [sflag:$0x5] =	stream.linear.gather [hbm4b:s21+s5], $0x80, $0x38;
	[tilespmem:$0x1C580] =	vst v63  }
0x6d: {  	_ =	swait.ge [sflag:s16], $0x4000  }
0x6e: {  	[sflag:s16] =	ssyncset.done $0x0  }
0x6f: {  	[sflag:s16] =	ssyncadd.s32 $0xFFFFC000  }
0x70: {  	[spmem:s3] =	stream.indirect.scatter.add.f32 [tilespmem:s9], [sflag:$0xC], $0x80, s24, s26, $0xb8;
	[tilespmem:$0x1C580] =	vst v63  }
0x71: {  	_ =	swait.ge [sflag:s17], $0x80  }
0x72: {  	[sflag:s17] =	ssyncset.done $0x0  }
0x73: {  	[sflag:s17] =	ssyncadd.s32 $0xFFFFFF80  }
0x74: {  	_ =	swait.ge [sflag:s18], $0x80  }
0x75: {  	[sflag:s18] =	ssyncset.done $0x0  }
0x76: {  	[sflag:s18] =	ssyncadd.s32 $0xFFFFFF80  }
0x77: {  	_ =	swait.ge [sflag:s19], $0x4000  }
0x78: {  	[sflag:s19] =	ssyncset.done $0x0  }
0x79: {  	s23 =	rddreg [dreg:$0xa];
	[sflag:s19] =	ssyncadd.s32 $0xFFFFC000  }
0x7a: {  	[tilespmem:s9], [sflag:$0xA] =	stream.indirect.gather [hbm4b:s6+s26], $0x80, s10, s26, $0xb8;
	[tilespmem:$0x1C580] =	vst v63  }
0x7b: {  	s22 =	rddreg [dreg:$0x9];
	s21 =	sadd.s32 $0x0, s23  }
0x7c: {  	[tilespmem:s26], [sflag:$0x2] =	stream.linear.gather [hbm4b:s21+s5], $0x80, $0x38;
	[tilespmem:$0x1C580] =	vst v63  }
0x7d: {  	s23 =	sadd.s32 $0x0, s22  }
0x7e: {  	[tilespmem:s24], [sflag:$0x6] =	stream.linear.gather [hbm4b:s23+s5], $0x80, $0x38;
	[tilespmem:$0x1C580] =	vst v63  }
0x7f: {  	_ =	swait.ge [sflag:s12], $0x4000  }
0x80: {  	[sflag:s12] =	ssyncset.done $0x0  }
0x81: {  	[sflag:s12] =	ssyncadd.s32 $0xFFFFC000  }
0x82: {  	[spmem:s3] =	stream.indirect.scatter.add.f32 [tilespmem:s31], [sflag:$0xB], $0x80, s4, s26, $0xb8;
	[tilespmem:$0x1C580] =	vst v63  }
0x83: {  	_ =	swait.ge [sflag:s29], $0x80  }
0x84: {  	[sflag:s29] =	ssyncset.done $0x0  }
0x85: {  	[sflag:s29] =	ssyncadd.s32 $0xFFFFFF80  }
0x86: {  	_ =	swait.ge [sflag:s30], $0x80  }
0x87: {  	[sflag:s30] =	ssyncset.done $0x0  }
0x88: {  	[sflag:s30] =	ssyncadd.s32 $0xFFFFFF80  }
0x89: {  	_ =	swait.ge [sflag:s15], $0x4000  }
0x8a: {  	p1 =	por $0x0, $0x0;
	[sflag:s15] =	ssyncset.done $0x0  }
0x8b: {  	s22 =	simm.s32 @!p1 $0x100;
	s21 =	rddreg [dreg:$0x8];
	[sflag:s15] =	ssyncadd.s32 $0xFFFFC000  }
0x8c: {  	[tilespmem:s31], [sflag:$0x9] =	stream.indirect.gather [hbm4b:s6+s26], $0x80, s5, s26, $0xb8;
	[tilespmem:$0x1C580] =	vst v63  }
0x8d: {  	s24 =	simm.s32 @!p1 $0x0;
	s23 =	rddreg [dreg:$0x7];
	s21 =	sadd.s32 @!p1 $0x0, s21  }
0x8e: {  	[tilespmem:s22], [sflag:$0x3] =	stream.linear.gather @!p1 [hbm4b:s21+s24], $0x80, $0x38;
	[tilespmem:$0x1C580] =	vst v63  }
0x8f: {  	s21 =	sadd.s32 @!p1 $0x0, s23;
	s22 =	simm.s32 @!p1 $0x300  }
0x90: {  	[tilespmem:s22], [sflag:$0x7] =	stream.linear.gather @!p1 [hbm4b:s21+s24], $0x80, $0x38;
	[tilespmem:$0x1C580] =	vst v63  }
0x91: {  	_ =	swait.ge [sflag:s16], $0x4000  }
0x92: {  	[sflag:s16] =	ssyncset.done $0x0  }
0x93: {  	[sflag:s16] =	ssyncadd.s32 $0xFFFFC000  }
0x94: {  	[spmem:s3] =	stream.indirect.scatter.add.f32 [tilespmem:s9], [sflag:$0xC], $0x80, s11, s26, $0xb8;
	[tilespmem:$0x1C580] =	vst v63  }
0x95: {  	_ =	swait.ge [sflag:s7], $0x80  }
0x96: {  	[sflag:s7] =	ssyncset.done $0x0  }
0x97: {  	[sflag:s7] =	ssyncadd.s32 $0xFFFFFF80  }
0x98: {  	_ =	swait.ge [sflag:s8], $0x80  }
0x99: {  	[sflag:s8] =	ssyncset.done $0x0  }
0x9a: {  	[sflag:s8] =	ssyncadd.s32 $0xFFFFFF80  }
0x9b: {  	_ =	swait.ge [sflag:s19], $0x4000  }
0x9c: {  	[sflag:s19] =	ssyncset.done $0x0  }
0x9d: {  	s21 =	rddreg [dreg:$0x6];
	[sflag:s19] =	ssyncadd.s32 $0xFFFFC000  }
0x9e: {  	[tilespmem:s9], [sflag:$0xA] =	stream.indirect.gather [hbm4b:s6+s26], $0x80, s26, s26, $0xb8;
	[tilespmem:$0x1C580] =	vst v63  }
0x9f: {  	s23 =	simm.s32 @!p1 $0x180;
	s22 =	rddreg [dreg:$0x5];
	s21 =	sadd.s32 @!p1 $0x0, s21  }
0xa0: {  	[tilespmem:s23], [sflag:$0x4] =	stream.linear.gather @!p1 [hbm4b:s21+s24], $0x80, $0x38;
	[tilespmem:$0x1C580] =	vst v63  }
0xa1: {  	s21 =	sadd.s32 @!p1 $0x0, s22;
	s22 =	simm.s32 @!p1 $0x380  }
0xa2: {  	[tilespmem:s22], [sflag:$0x8] =	stream.linear.gather @!p1 [hbm4b:s21+s24], $0x80, $0x38;
	[tilespmem:$0x1C580] =	vst v63  }
0xa3: {  	_ =	swait.ge [sflag:s12], $0x4000  }
0xa4: {  	s10 =	simm.s32 $0x300;
	[sflag:s12] =	ssyncset.done $0x0  }
0xa5: {  	s23 =	simm.s32 $0x40;
	s21 =	sadd.s32 $0x200, s1;
	[sflag:s12] =	ssyncadd.s32 $0xFFFFC000  }
.LBB2_2:
0xa6: {  	s1 =	simm.s32 $0x200  }
0xa7: {  	[spmem:s3] =	stream.indirect.scatter.add.f32 [tilespmem:s31], [sflag:$0xB], $0x80, s1, s26, $0xb8;
	[tilespmem:$0x1C580] =	vst v63  }
0xa8: {  	_ =	swait.ge [sflag:s13], $0x80  }
0xa9: {  	[sflag:s13] =	ssyncset.done $0x0  }
0xaa: {  	[sflag:s13] =	ssyncadd.s32 $0xFFFFFF80  }
0xab: {  	_ =	swait.ge [sflag:s14], $0x80  }
0xac: {  	[sflag:s14] =	ssyncset.done $0x0  }
0xad: {  	[sflag:s14] =	ssyncadd.s32 $0xFFFFFF80  }
0xae: {  	_ =	swait.ge [sflag:s15], $0x4000  }
0xaf: {  	[sflag:s15] =	ssyncset.done $0x0  }
0xb0: {  	s22 =	sshrl.u32 s21, $0x3;
	[sflag:s15] =	ssyncadd.s32 $0xFFFFC000  }
0xb1: {  	[tilespmem:s31], [sflag:$0x9] =	stream.indirect.gather [hbm4b:s6+s26], $0x80, s20, s26, $0xb8;
	[tilespmem:$0x1C580] =	vst v63  }
0xb2: {  	s4 =	sadd.s32 s2, s22  }
0xb3: {  	[tilespmem:s5], [sflag:$0x1] =	stream.linear.gather [hbm4b:s4+s5], $0x80, $0x38;
	[tilespmem:$0x1C580] =	vst v63  }
0xb4: {  	s11 =	sadd.s32 s0, s22  }
0xb5: {  	[tilespmem:s1], [sflag:$0x5] =	stream.linear.gather [hbm4b:s11+s5], $0x80, $0x38;
	[tilespmem:$0x1C580] =	vst v63  }
0xb6: {  	_ =	swait.ge [sflag:s16], $0x4000  }
0xb7: {  	[sflag:s16] =	ssyncset.done $0x0  }
0xb8: {  	s1 =	simm.s32 $0x280;
	[sflag:s16] =	ssyncadd.s32 $0xFFFFC000  }
0xb9: {  	[spmem:s3] =	stream.indirect.scatter.add.f32 [tilespmem:s9], [sflag:$0xC], $0x80, s1, s26, $0xb8;
	[tilespmem:$0x1C580] =	vst v63  }
0xba: {  	_ =	swait.ge [sflag:s17], $0x80  }
0xbb: {  	[sflag:s17] =	ssyncset.done $0x0  }
0xbc: {  	[sflag:s17] =	ssyncadd.s32 $0xFFFFFF80  }
0xbd: {  	_ =	swait.ge [sflag:s18], $0x80  }
0xbe: {  	[sflag:s18] =	ssyncset.done $0x0  }
0xbf: {  	[sflag:s18] =	ssyncadd.s32 $0xFFFFFF80  }
0xc0: {  	_ =	swait.ge [sflag:s19], $0x4000  }
0xc1: {  	s24 =	smov.u32 s23;
	[sflag:s19] =	ssyncset.done $0x0  }
0xc2: {  	s4 =	simm.s32 $0x180;
	s22 =	rddreg [dreg:$0xa];
	[sflag:s19] =	ssyncadd.s32 $0xFFFFC000  }
0xc3: {  	[tilespmem:s9], [sflag:$0xA] =	stream.indirect.gather [hbm4b:s6+s26], $0x80, s4, s26, $0xb8;
	[tilespmem:$0x1C580] =	vst v63  }
0xc4: {  	s11 =	rddreg [dreg:$0x9];
	s20 =	sadd.s32 s24, s22  }
0xc5: {  	[tilespmem:s26], [sflag:$0x2] =	stream.linear.gather [hbm4b:s20+s5], $0x80, $0x38;
	[tilespmem:$0x1C580] =	vst v63  }
0xc6: {  	s22 =	sadd.s32 s24, s11  }
0xc7: {  	[tilespmem:s1], [sflag:$0x6] =	stream.linear.gather [hbm4b:s22+s5], $0x80, $0x38;
	[tilespmem:$0x1C580] =	vst v63  }
0xc8: {  	_ =	swait.ge [sflag:s12], $0x4000  }
0xc9: {  	[sflag:s12] =	ssyncset.done $0x0  }
0xca: {  	[sflag:s12] =	ssyncadd.s32 $0xFFFFC000  }
0xcb: {  	[spmem:s3] =	stream.indirect.scatter.add.f32 [tilespmem:s31], [sflag:$0xB], $0x80, s10, s26, $0xb8;
	[tilespmem:$0x1C580] =	vst v63  }
0xcc: {  	_ =	swait.ge [sflag:s29], $0x80  }
0xcd: {  	[sflag:s29] =	ssyncset.done $0x0  }
0xce: {  	[sflag:s29] =	ssyncadd.s32 $0xFFFFFF80  }
0xcf: {  	_ =	swait.ge [sflag:s30], $0x80  }
0xd0: {  	[sflag:s30] =	ssyncset.done $0x0  }
0xd1: {  	[sflag:s30] =	ssyncadd.s32 $0xFFFFFF80  }
0xd2: {  	p2 =	seq.s32 s24, $0x480;
	_ =	swait.ge [sflag:s15], $0x4000  }
0xd3: {  	s4 =	smov.u32 s0;
	s0 =	smov.u32 s2;
	[sflag:s15] =	ssyncset.done $0x0  }
0xd4: {  	s2 =	simm.s32 @!p2 $0x100;
	s20 =	rddreg [dreg:$0x8];
	[sflag:s15] =	ssyncadd.s32 $0xFFFFC000  }
0xd5: {  	[tilespmem:s31], [sflag:$0x9] =	stream.indirect.gather [hbm4b:s6+s26], $0x80, s5, s26, $0xb8;
	[tilespmem:$0x1C580] =	vst v63  }
0xd6: {  	s1 =	simm.s32 @!p2 $0x0;
	s22 =	rddreg [dreg:$0x7];
	s20 =	sadd.s32 @!p2 s24, s20  }
0xd7: {  	[tilespmem:s2], [sflag:$0x3] =	stream.linear.gather @!p2 [hbm4b:s20+s1], $0x80, $0x38;
	[tilespmem:$0x1C580] =	vst v63  }
0xd8: {  	s2 =	sadd.s32 @!p2 s24, s22;
	s20 =	simm.s32 @!p2 $0x300  }
0xd9: {  	[tilespmem:s20], [sflag:$0x7] =	stream.linear.gather @!p2 [hbm4b:s2+s1], $0x80, $0x38;
	[tilespmem:$0x1C580] =	vst v63  }
0xda: {  	_ =	swait.ge [sflag:s16], $0x4000  }
0xdb: {  	[sflag:s16] =	ssyncset.done $0x0  }
0xdc: {  	[sflag:s16] =	ssyncadd.s32 $0xFFFFC000  }
0xdd: {  	[spmem:s3] =	stream.indirect.scatter.add.f32 [tilespmem:s9], [sflag:$0xC], $0x80, s25, s26, $0xb8;
	[tilespmem:$0x1C580] =	vst v63  }
0xde: {  	_ =	swait.ge [sflag:s7], $0x80  }
0xdf: {  	[sflag:s7] =	ssyncset.done $0x0  }
0xe0: {  	[sflag:s7] =	ssyncadd.s32 $0xFFFFFF80  }
0xe1: {  	_ =	swait.ge [sflag:s8], $0x80  }
0xe2: {  	[sflag:s8] =	ssyncset.done $0x0  }
0xe3: {  	[sflag:s8] =	ssyncadd.s32 $0xFFFFFF80  }
0xe4: {  	_ =	swait.ge [sflag:s19], $0x4000  }
0xe5: {  	s23 =	sadd.s32 $0x40, s23;
	[sflag:s19] =	ssyncset.done $0x0  }
0xe6: {  	p1 =	sne.s32 s23, $0x4C0;
	s2 =	rddreg [dreg:$0x6];
	[sflag:s19] =	ssyncadd.s32 $0xFFFFC000  }
0xe7: {  	[tilespmem:s9], [sflag:$0xA] =	stream.indirect.gather [hbm4b:s6+s26], $0x80, s26, s26, $0xb8;
	[tilespmem:$0x1C580] =	vst v63  }
0xe8: {  	s22 =	simm.s32 @!p2 $0x180;
	s20 =	rddreg [dreg:$0x5];
	s2 =	sadd.s32 @!p2 s24, s2  }
0xe9: {  	[tilespmem:s22], [sflag:$0x4] =	stream.linear.gather @!p2 [hbm4b:s2+s1], $0x80, $0x38;
	[tilespmem:$0x1C580] =	vst v63  }
.Ltmp0:
0xea: {  	s2 =	sadd.s32 @!p2 s24, s20;
	s20 =	simm.s32 @!p2 $0x380;
	(pc) =	sbr.rel @p1 .LBB2_2-.Ltmp0, $4  }
0xeb: {  	[tilespmem:s20], [sflag:$0x8] =	stream.linear.gather @!p2 [hbm4b:s2+s1], $0x80, $0x38;
	[tilespmem:$0x1C580] =	vst v63  }
0xec: {  	s21 =	sadd.s32 $0x200, s21;
	_ =	swait.ge [sflag:s12], $0x4000  }
0xed: {  	s11 =	simm.s32 $0x280;
	s20 =	simm.s32 $0x100;
	[sflag:s12] =	ssyncset.done $0x0  }
0xee: {  	s2 =	smov.u32 s0;
	s0 =	smov.u32 s4;
	[sflag:s12] =	ssyncadd.s32 $0xFFFFC000  }
0xef: {  	[spmem:s3] =	stream.indirect.scatter.add.f32 [tilespmem:s31], [sflag:$0xB], $0x80, s28, s26, $0xb8;
	[tilespmem:$0x1C580] =	vst v63  }
0xf0: {  	s1 =	rddreg [dreg:$0x18];
	s4 =	simm.s32 $0x8400  }
0xf1: {  	[tilespmem:s4], [sflag:$0xD] =	stream.linear.gather [hbm4b:s1+s5], $0x10, $0x38;
	[tilespmem:$0x1C580] =	vst v63  }
0xf2: {  	s22 =	rddreg [dreg:$0x19];
	s10 =	simm.s32 $0x8480  }
0xf3: {  	[tilespmem:s10], [sflag:$0xE] =	stream.linear.gather [hbm4b:s22+s5], $0x10, $0x38;
	[tilespmem:$0x1C580] =	vst v63  }
0xf4: {  	_ =	swait.ge [sflag:s16], $0x4000  }
0xf5: {  	[sflag:s16] =	ssyncset.done $0x0  }
0xf6: {  	s23 =	simm.s32 $0xD;
	[sflag:s16] =	ssyncadd.s32 $0xFFFFC000  }
0xf7: {  	[spmem:s3] =	stream.indirect.scatter.add.f32 [tilespmem:s9], [sflag:$0xC], $0x80, s11, s26, $0xb8;
	[tilespmem:$0x1C580] =	vst v63  }
0xf8: {  	_ =	swait.ge [sflag:s23], $0x10  }
0xf9: {  	[sflag:s23] =	ssyncset.done $0x0  }
0xfa: {  	s24 =	simm.s32 $0xE;
	[sflag:s23] =	ssyncadd.s32 $0xFFFFFFF0  }
0xfb: {  	_ =	swait.ge [sflag:s24], $0x10  }
0xfc: {  	[sflag:s24] =	ssyncset.done $0x0  }
0xfd: {  	s21 =	simm.s32 $0x10;
	s22 =	simm.s32 $0x8500;
	[sflag:s24] =	ssyncadd.s32 $0xFFFFFFF0  }
0xfe: {  	[tilespmem:s22], [sflag:$0xD] =	stream.indirect.gather [hbm4b:s6+s21], $0x80, s4, s21, $0xb8;
	[tilespmem:$0x1C580] =	vst v63  }
0xff: {  	_ =	swait.ge [sflag:s23], $0x800  }
0x100: {  	[sflag:s23] =	ssyncset.done $0x0  }
0x101: {  	[sflag:s23] =	ssyncadd.s32 $0xFFFFF800  }
0x102: {  	[spmem:s3] =	stream.indirect.scatter.add.f32 [tilespmem:s22], [sflag:$0xE], $0x80, s10, s21, $0xb8;
	[tilespmem:$0x1C580] =	vst v63  }
0x103: {  	_ =	swait.ge [sflag:s15], $0x4000  }
0x104: {  	[sflag:s15] =	ssyncset.done $0x0  }
0x105: {  	[sflag:s15] =	ssyncadd.s32 $0xFFFFC000  }
0x106: {  	_ =	swait.ge [sflag:s19], $0x4000  }
0x107: {  	[sflag:s19] =	ssyncset.done $0x0  }
0x108: {  	[sflag:s19] =	ssyncadd.s32 $0xFFFFC000  }
0x109: {  	_ =	swait.ge [sflag:s24], $0x800  }
0x10a: {  	[sflag:s24] =	ssyncset.done $0x0  }
0x10b: {  	[sflag:s24] =	ssyncadd.s32 $0xFFFFF800  }
0x10c: {  	[bflag:$0x0] =	sbarrier.arrive $0xFFFF  }
0x10d: {  	s10 =	sld [smem:$0x7FD];
	_ =	sdelay $0x1  }
0x10e: {  	s1 =	simm.s32 @p0 $0x1FCF;
	s4 =	rddreg [dreg:$0x1a]  }
0x10f: {  	[hbm:s4], [sflag:s1] =	dma.local @p0 [spmem:s10], $0x2080  }
0x110: {  	s1 =	simm.s32 @p0 $0xF  }
0x111: {  	_ =	swait.ge @p0 [sflag:s1], $0x2080  }
0x112: {  	[sflag:s1] =	ssyncset.done @p0 $0x0;
	s4 =	rddreg [dreg:$0x15]  }
0x113: {  	[sflag:s1] =	ssyncadd.s32 @p0 $0xFFFFDF80;
	s1 =	rddreg [dreg:$0x1e]  }
0x114: {  	s10 =	rddreg [dreg:$0x1f];
	s1 =	sor.u32 @!p0 $0x1C0F, s1  }
0x115: {  	[hbm:s4], [sflag:s1] =	dma.local @!p0 [spmem:s10], $0x2780  }
0x116: {  	s1 =	simm.s32 @!p0 $0xF  }
0x117: {  	_ =	swait.ge @!p0 [sflag:s1], $0x2780  }
0x118: {  	s23 =	rddreg [dreg:$0x1d]  }
0x119: {  	s24 =	rddreg [dreg:$0x1b];
	s21 =	sadd.s32 $0x1, s23  }
0x11a: {  	p1 =	sne.s32 s21, s24  }
.Ltmp1:
0x11b: {  	_ = 	snop;
	(pc) =	sbr.rel @p1 .LBB2_1-.Ltmp1, $3  }
0x11c: {  	_ =	sdelay $0x1  }
0x11d: {  	s11 =	simm.s32 $0x380;
	[sflag:s1] =	ssyncset.done @!p0 $0x0  }
0x11e: {  	s4 =	simm.s32 $0x300;
	s10 =	simm.s32 $0x180;
	[sflag:s1] =	ssyncadd.s32 @!p0 $0xFFFFD880  }
0x11f: {  	_ =	sfence.sel $0x180000  }
0x120: {  	[bflag:$0x0] =	sbarrier.arrive $0xFFFF  }
0x121: {  	_ =	strace $0x9000004A  }
0x122: {  	s0 =	stileid.u32;
	[bflag:$0x2] =	sbarrier.arrive $0xFFFF  }
0x123: {  	p0 =	sne.s32 s0, $0x0;
	s0 =	rddreg [dreg:$0x4]  }
0x124: {  	s0 =	sadd.s32 @!p0 $0x100000, s0  }
0x125: {  	[sflag:s0] =	ssyncadd.tile.s32 @!p0 $0x1;
	_ =	shalt  }
.Lfunc_end2:
_tile_overlayer_lowered:
.L_overlay_start_2:
0x126: {  	(tag) =	ssettag $0x2  }
0x127: {  	s0 =	rddreg [dreg:$0x0];
	s2 =	stileid.u32  }
0x128: {  	s1 =	rddreg [dreg:$0x1];
	p0 =	sne.s32 s2, $0x0  }
0x129: {  	s3 =	rddreg [dreg:$0x2];
	[bflag:$0x3] =	sbarrier.arrive $0xFFFF;
	s2 =	simm.s32 @!p0 $0x1C0F  }
0x12a: {  	[timem:s3], [sflag:s2] =	dma.local @!p0 [hbm:s0], s1  }
0x12b: {  	s0 =	simm.s32 @!p0 $0xF  }
0x12c: {  	_ =	swait.ge @!p0 [sflag:s0], s1  }
0x12d: {  	s1 =	ssub.s32 @!p0 $0x0, s1;
	[sflag:s0] =	ssyncset.done @!p0 $0x0  }
0x12e: {  	[sflag:s0] =	ssyncadd.s32 @!p0 s1  }
0x12f: {  	[bflag:$0x3] =	sbarrier.arrive $0xFFFF  }
0x130: {  	_ =	shalt  }

</sc_bundles>
